<compile_context>
chip_gen: v7x
topology: tpu7x:2x2x1
jax: 0.10.2.dev20260603
libtpu: 0.0.44.dev20260713+nightly
codegen_flags: <defaults>
</compile_context>

<pallas_src>
import functools

import jax
import jax.numpy as jnp
from jax import lax
from jax.experimental import pallas as pl
from jax.experimental.pallas import tpu as pltpu
from jax.experimental.pallas import tpu_sc as plsc

E = 64
TOPK = 2
D = 1024
DFF = 1024
T = 2048
TT = T * TOPK

B = 128
NB = TT // B + E
NP = NB * B
DBLK = 1024
NJ = DFF // DBLK

_TB = 256

_NW = 32
_TW = T // _NW

@functools.cache
def _sc_mesh():
    return plsc.VectorSubcoreMesh(core_axis_name="c", subcore_axis_name="s")


def _router_body(x_ref, wg_ref, topi_ref, topw_ref):
    x = x_ref[...]
    logits = jnp.dot(x, wg_ref[...], preferred_element_type=jnp.float32)
    lane = lax.broadcasted_iota(jnp.int32, logits.shape, 1)
    m1 = jnp.max(logits, axis=1, keepdims=True)
    i1 = jnp.min(jnp.where(logits == m1, lane, E), axis=1, keepdims=True)
    masked = jnp.where(lane == i1, -jnp.inf, logits)
    m2 = jnp.max(masked, axis=1, keepdims=True)
    i2 = jnp.min(jnp.where(masked == m2, lane, E), axis=1, keepdims=True)
    w1 = jax.nn.sigmoid(m1 - m2)
    topi_ref[...] = jnp.concatenate([i1, i2], axis=1).astype(jnp.int32)
    topw_ref[...] = jnp.concatenate([w1, 1.0 - w1], axis=1)


_router = pl.pallas_call(
    _router_body,
    grid=(T // _TB,),
    in_specs=[
        pl.BlockSpec((_TB, D), lambda t: (t, 0)),
        pl.BlockSpec((D, E), lambda t: (0, 0)),
    ],
    out_specs=[
        pl.BlockSpec((_TB, TOPK), lambda t: (t, 0)),
        pl.BlockSpec((_TB, TOPK), lambda t: (t, 0)),
    ],
    out_shape=[
        jax.ShapeDtypeStruct((T, TOPK), jnp.int32),
        jax.ShapeDtypeStruct((T, TOPK), jnp.float32),
    ],
)


def _dispatch(topi, topw):
    eflat = topi.reshape(-1)
    onehot = (eflat[:, None] == jnp.arange(E, dtype=jnp.int32)[None, :]).astype(jnp.int32)
    pos = jnp.cumsum(onehot, axis=0)
    counts = pos[-1]
    rank = jnp.sum(onehot * pos, axis=1) - 1
    nblk = (counts + B - 1) // B
    blk_cum = jnp.cumsum(nblk)
    nb_active = blk_cum[-1]
    bb = jnp.arange(NB, dtype=jnp.int32)
    blk_expert = jnp.sum((bb[:, None] >= blk_cum[None, :]).astype(jnp.int32), axis=1)
    blk_expert = jnp.minimum(blk_expert, E - 1)
    sp = jnp.concatenate([blk_expert, nb_active[None]]).astype(jnp.int32)
    pad_off = (blk_cum - nblk) * B
    ps = pad_off[eflat] + rank
    w_pad = jnp.zeros((NP,), jnp.float32).at[ps].set(topw.reshape(-1))
    cpos = ps.reshape(T, TOPK)
    ps2 = ps.reshape(_NW, T // _NW, TOPK).transpose(0, 2, 1)
    return sp, ps2, w_pad, cpos


@functools.cache
def _sc_dispatch():
    @functools.partial(
        pl.kernel,
        out_type=jax.ShapeDtypeStruct((NP, D), jnp.float32),
        mesh=_sc_mesh(),
        scratch_types=[
            pltpu.VMEM((TOPK, T // _NW), jnp.int32),
            pltpu.VMEM((T // _NW, D), jnp.float32),
            pltpu.SemaphoreType.DMA,
            pltpu.SemaphoreType.DMA,
        ],
    )
    def dispatch(x_hbm, ps2_hbm, xs_hbm, idx_v, rows_v, s0, s1):
        wid = lax.axis_index("s") * 2 + lax.axis_index("c")
        tw = T // _NW
        pltpu.sync_copy(x_hbm.at[pl.ds(wid * tw, tw)], rows_v)
        pltpu.sync_copy(ps2_hbm.at[wid], idx_v)
        cp0 = pltpu.async_copy(rows_v, xs_hbm.at[idx_v.at[0]], s0)
        cp1 = pltpu.async_copy(rows_v, xs_hbm.at[idx_v.at[1]], s1)
        cp0.wait()
        cp1.wait()

    return dispatch


def _ffn_body(sp_ref, xs_ref, w_ref, wg_ref, wu_ref, wd_ref, ys_ref):
    b = pl.program_id(0)
    j = pl.program_id(1)
    nact = sp_ref[NB]

    @pl.when(b < nact)
    def _():
        x = xs_ref[...]
        g = jnp.dot(x, wg_ref[0], preferred_element_type=jnp.float32)
        u = jnp.dot(x, wu_ref[0], preferred_element_type=jnp.float32)
        h = g * jax.nn.sigmoid(g) * u
        part = jnp.dot(h, wd_ref[0], preferred_element_type=jnp.float32) * w_ref[...]

        @pl.when(j == 0)
        def _():
            ys_ref[...] = part

        @pl.when(j > 0)
        def _():
            ys_ref[...] += part


_ffn = pl.pallas_call(
    _ffn_body,
    grid_spec=pltpu.PrefetchScalarGridSpec(
        num_scalar_prefetch=1,
        grid=(NB, NJ),
        in_specs=[
            pl.BlockSpec(
                (B, D), lambda b, j, sp: (jnp.minimum(b, sp[NB] - 1), 0)),
            pl.BlockSpec(
                (B, 1), lambda b, j, sp: (jnp.minimum(b, sp[NB] - 1), 0)),
            pl.BlockSpec(
                (1, D, DBLK),
                lambda b, j, sp: (sp[jnp.minimum(b, sp[NB] - 1)], 0, j)),
            pl.BlockSpec(
                (1, D, DBLK),
                lambda b, j, sp: (sp[jnp.minimum(b, sp[NB] - 1)], 0, j)),
            pl.BlockSpec(
                (1, DBLK, D),
                lambda b, j, sp: (sp[jnp.minimum(b, sp[NB] - 1)], j, 0)),
        ],
        out_specs=pl.BlockSpec(
            (B, D), lambda b, j, sp: (jnp.minimum(b, sp[NB] - 1), 0)),
    ),
    out_shape=jax.ShapeDtypeStruct((NP, D), jnp.float32),
    compiler_params=pltpu.CompilerParams(
        dimension_semantics=("arbitrary", "arbitrary")),
)


@functools.cache
def _sc_combine():
    @functools.partial(
        pl.kernel,
        out_type=jax.ShapeDtypeStruct((T, D), jnp.float32),
        mesh=_sc_mesh(),
        scratch_types=[
            pltpu.VMEM((16,), jnp.int32),
            pltpu.VMEM((16,), jnp.int32),
            pltpu.VMEM((16, D), jnp.float32),
            pltpu.VMEM((16, D), jnp.float32),
            pltpu.SemaphoreType.DMA,
            pltpu.SemaphoreType.DMA,
        ],
    )
    def combine(ys_hbm, c0_hbm, c1_hbm, out_hbm,
                i0_v, i1_v, a_v, b_v, sem0, sem1):
        wid = lax.axis_index("s") * 2 + lax.axis_index("c")
        for r in range(_TW // 16):
            base = wid * _TW + r * 16
            pltpu.sync_copy(c0_hbm.at[pl.ds(base, 16)], i0_v)
            pltpu.sync_copy(c1_hbm.at[pl.ds(base, 16)], i1_v)
            cp0 = pltpu.async_copy(ys_hbm.at[i0_v], a_v, sem0)
            cp1 = pltpu.async_copy(ys_hbm.at[i1_v], b_v, sem1)
            cp0.wait()
            cp1.wait()

            def body(i, carry):
                l = i // (D // 16)
                sl = pl.ds((i % (D // 16)) * 16, 16)
                a_v[l, sl] = a_v[l, sl] + b_v[l, sl]
                return carry

            lax.fori_loop(0, 16 * (D // 16), body, 0, unroll=4)
            pltpu.sync_copy(a_v, out_hbm.at[pl.ds(base, 16)])

    return combine


def kernel(hidden_states, Wg, W_gate, W_up, W_down):
    x = hidden_states
    topi, topw = _router(x, Wg)
    sp, ps2, w_pad, cpos = _dispatch(topi, topw)
    xs = _sc_dispatch()(x, ps2)
    ys = _ffn(sp, xs, w_pad[:, None], W_gate, W_up, W_down)
    return _sc_combine()(ys, cpos[:, 0], cpos[:, 1])

# --- scband reference (transcript-rebuilt; emitter-appended) ---
"""Pipeline reference for scband-bailing-moe-55860344652005 (READ-ONLY COPY).

The authoritative reference and input builder live on the scoring server;
editing this copy changes nothing except your own understanding.
"""

import jax, jax.numpy as jnp
import numpy as np

E = 64
TOPK = 2
D = 1024
DFF = 1024
T = 2048
SCALE = 1.0


def setup_inputs(seed: int = 0) -> dict:
    key = jax.random.key(seed)
    k1, k2, k3, k4, k5 = jax.random.split(key, 5)
    x = jax.random.normal(k1, (T, D), dtype=jnp.float32)
    Wg = jax.random.normal(k2, (D, E), dtype=jnp.float32) * 0.02
    W_gate = jax.random.normal(k3, (E, D, DFF), dtype=jnp.float32) * 0.02
    W_up = jax.random.normal(k4, (E, D, DFF), dtype=jnp.float32) * 0.02
    W_down = jax.random.normal(k5, (E, DFF, D), dtype=jnp.float32) * 0.02
    return {"hidden_states": x, "Wg": Wg, "W_gate": W_gate, "W_up": W_up, "W_down": W_down}


def reference(hidden_states, Wg, W_gate, W_up, W_down):
    x = hidden_states
    # router (ReplicatedLinear gate, softmax scoring, no correction bias)
    router_logits = x @ Wg
    probs = jax.nn.softmax(router_logits, axis=-1)
    topw, topi = jax.lax.top_k(probs, TOPK)
    # renormalize (norm_topk_prob=True)
    topw = topw / jnp.sum(topw, axis=-1, keepdims=True)
    num_experts = W_gate.shape[0]
    expert_ids = jnp.arange(num_experts, dtype=topi.dtype)
    # (T, E) routing weights: zero for experts a token is not routed to
    w_dense = jnp.sum(
        jnp.where(topi[:, :, None] == expert_ids[None, None, :], topw[:, :, None], 0.0),
        axis=1,
    )

    def body(out, inp):
        Wg_e, Wu_e, Wd_e, w_e = inp
        h = jax.nn.silu(x @ Wg_e) * (x @ Wu_e)
        ye = h @ Wd_e
        return out + w_e[:, None] * ye, None

    out, _ = jax.lax.scan(
        body,
        jnp.zeros_like(x),
        (W_gate, W_up, W_down, jnp.transpose(w_dense)),
    )
    # routed_scaling_factor = 1.0; no shared experts (num_shared_experts=0)
    return out * SCALE

if __name__ == "__main__":
    import jax
    _d = setup_inputs()
    print(jax.jit(kernel)(*tuple(_d.values())))

</pallas_src>

<mosaic_0001>
#map = affine_map<(d0, d1) -> (0, 0)>
#map1 = affine_map<(d0, d1) -> (0, 0, 0)>
module attributes {stable_mosaic.version = 14 : i64} {
  func.func @dispatch(%arg0: i32, %arg1: i32, %arg2: memref<2048x1024xf32, #tpu.memory_space<hbm>>, %arg3: memref<32x2x64xi32, #tpu.memory_space<hbm>>, %arg4: memref<12288x1024xf32, #tpu.memory_space<hbm>>, %arg5: memref<2x64xi32, #tpu.memory_space<vmem>>, %arg6: memref<64x1024xf32, #tpu.memory_space<vmem>>, %arg7: memref<!tpu.dma_semaphore, #tpu.memory_space<semaphore_mem>>, %arg8: memref<!tpu.dma_semaphore, #tpu.memory_space<semaphore_mem>>) attributes {dimension_semantics = [#tpu.dimension_semantics<core_parallel>, #tpu.dimension_semantics<subcore_parallel>], iteration_bounds = array<i64: 2, 16>, scalar_prefetch = 0 : i64, scratch_operands = 4 : i64, tpu.core_type = #tpu.core_type<sc_vector_subcore>, window_params = [{transform_indices = #map}, {transform_indices = #map1}, {transform_indices = #map}]} {
    %mul3A = arith.constant 2 : i32
    %mul3A_0 = arith.muli %arg1, %mul3A : i32
    %add3A = arith.addi %mul3A_0, %arg0 : i32
    %mul3A_1 = arith.constant 64 : i32
    %mul3A_2 = arith.muli %add3A, %mul3A_1 : i32
    "tpu.region"() ({
      %run_scoped3A = tpu.sem_alloc : memref<!tpu.dma_semaphore, #tpu.memory_space<semaphore_mem>>
      %dma_start3A_29 = arith.constant 0 : i32
      %dma_start3A_30 = tpu.memref_slice %arg2[%mul3A_2, %dma_start3A_29] : memref<2048x1024xf32, #tpu.memory_space<hbm>> -> memref<64x1024xf32, #tpu.memory_space<hbm>>
      %dma_start3A_31 = arith.constant 0 : i32
      %dma_start3A_32 = tpu.memref_slice %arg2[%mul3A_2, %dma_start3A_31] : memref<2048x1024xf32, #tpu.memory_space<hbm>> -> memref<64x1024xf32, #tpu.memory_space<hbm>>
      tpu.enqueue_dma source(%dma_start3A_32 : memref<64x1024xf32, #tpu.memory_space<hbm>>) target(%arg6 : memref<64x1024xf32, #tpu.memory_space<vmem>>) target_semaphore(%run_scoped3A : memref<!tpu.dma_semaphore, #tpu.memory_space<semaphore_mem>>)
      %dma_wait3A_33 = arith.constant 0 : i32
      %dma_wait3A_34 = tpu.memref_slice %arg2[%mul3A_2, %dma_wait3A_33] : memref<2048x1024xf32, #tpu.memory_space<hbm>> -> memref<64x1024xf32, #tpu.memory_space<hbm>>
      %dma_wait3A_35 = arith.constant 0 : i32
      %dma_wait3A_36 = tpu.memref_slice %arg2[%mul3A_2, %dma_wait3A_35] : memref<2048x1024xf32, #tpu.memory_space<hbm>> -> memref<64x1024xf32, #tpu.memory_space<hbm>>
      tpu.wait_dma2 semaphore(%run_scoped3A : memref<!tpu.dma_semaphore, #tpu.memory_space<semaphore_mem>>) src(%dma_wait3A_36 : memref<64x1024xf32, #tpu.memory_space<hbm>>) dst(%arg6 : memref<64x1024xf32, #tpu.memory_space<vmem>>)
      tpu.yield
    }) : () -> ()
    "tpu.region"() ({
      %run_scoped3A = tpu.sem_alloc : memref<!tpu.dma_semaphore, #tpu.memory_space<semaphore_mem>>
      %dma_start3A_29 = arith.constant 0 : i32
      %dma_start3A_30 = arith.constant 0 : i32
      %dma_start3A_31 = tpu.memref_slice %arg3[%add3A, %dma_start3A_29, %dma_start3A_30] : memref<32x2x64xi32, #tpu.memory_space<hbm>> -> memref<1x2x64xi32, #tpu.memory_space<hbm>>
      %dma_start3A_32 = tpu.memref_squeeze %dma_start3A_31 : memref<1x2x64xi32, #tpu.memory_space<hbm>> -> memref<2x64xi32, #tpu.memory_space<hbm>>
      %dma_start3A_33 = arith.constant 0 : i32
      %dma_start3A_34 = arith.constant 0 : i32
      %dma_start3A_35 = tpu.memref_slice %arg3[%add3A, %dma_start3A_33, %dma_start3A_34] : memref<32x2x64xi32, #tpu.memory_space<hbm>> -> memref<1x2x64xi32, #tpu.memory_space<hbm>>
      %dma_start3A_36 = tpu.memref_squeeze %dma_start3A_35 : memref<1x2x64xi32, #tpu.memory_space<hbm>> -> memref<2x64xi32, #tpu.memory_space<hbm>>
      tpu.enqueue_dma source(%dma_start3A_36 : memref<2x64xi32, #tpu.memory_space<hbm>>) target(%arg5 : memref<2x64xi32, #tpu.memory_space<vmem>>) target_semaphore(%run_scoped3A : memref<!tpu.dma_semaphore, #tpu.memory_space<semaphore_mem>>)
      %dma_wait3A_37 = arith.constant 0 : i32
      %dma_wait3A_38 = arith.constant 0 : i32
      %dma_wait3A_39 = tpu.memref_slice %arg3[%add3A, %dma_wait3A_37, %dma_wait3A_38] : memref<32x2x64xi32, #tpu.memory_space<hbm>> -> memref<1x2x64xi32, #tpu.memory_space<hbm>>
      %dma_wait3A_40 = tpu.memref_squeeze %dma_wait3A_39 : memref<1x2x64xi32, #tpu.memory_space<hbm>> -> memref<2x64xi32, #tpu.memory_space<hbm>>
      %dma_wait3A_41 = arith.constant 0 : i32
      %dma_wait3A_42 = arith.constant 0 : i32
      %dma_wait3A_43 = tpu.memref_slice %arg3[%add3A, %dma_wait3A_41, %dma_wait3A_42] : memref<32x2x64xi32, #tpu.memory_space<hbm>> -> memref<1x2x64xi32, #tpu.memory_space<hbm>>
      %dma_wait3A_44 = tpu.memref_squeeze %dma_wait3A_43 : memref<1x2x64xi32, #tpu.memory_space<hbm>> -> memref<2x64xi32, #tpu.memory_space<hbm>>
      tpu.wait_dma2 semaphore(%run_scoped3A : memref<!tpu.dma_semaphore, #tpu.memory_space<semaphore_mem>>) src(%dma_wait3A_44 : memref<2x64xi32, #tpu.memory_space<hbm>>) dst(%arg5 : memref<2x64xi32, #tpu.memory_space<vmem>>)
      tpu.yield
    }) : () -> ()
    %dma_start3A = arith.constant 0 : i32
    %dma_start3A_3 = arith.constant 0 : i32
    %dma_start3A_4 = tpu.memref_slice %arg5[%dma_start3A, %dma_start3A_3] : memref<2x64xi32, #tpu.memory_space<vmem>> -> memref<1x64xi32, #tpu.memory_space<vmem>>
    %dma_start3A_5 = tpu.memref_squeeze %dma_start3A_4 : memref<1x64xi32, #tpu.memory_space<vmem>> -> memref<64xi32, #tpu.memory_space<vmem>>
    %dma_start3A_6 = arith.constant 0 : i32
    %dma_start3A_7 = arith.constant 0 : i32
    %dma_start3A_8 = tpu.memref_slice %arg4[%dma_start3A_6, %dma_start3A_7] : memref<12288x1024xf32, #tpu.memory_space<hbm>> -> memref<12288x1024xf32, #tpu.memory_space<hbm>>
    tpu.enqueue_indirect_dma source(%arg6 : memref<64x1024xf32, #tpu.memory_space<vmem>>) target(%dma_start3A_8 : memref<12288x1024xf32, #tpu.memory_space<hbm>>) offsets(%dma_start3A_5 : memref<64xi32, #tpu.memory_space<vmem>>) semaphore(%arg7 : memref<!tpu.dma_semaphore, #tpu.memory_space<semaphore_mem>>)
    %dma_start3A_9 = arith.constant 1 : i32
    %dma_start3A_10 = arith.constant 0 : i32
    %dma_start3A_11 = tpu.memref_slice %arg5[%dma_start3A_9, %dma_start3A_10] : memref<2x64xi32, #tpu.memory_space<vmem>> -> memref<1x64xi32, #tpu.memory_space<vmem>>
    %dma_start3A_12 = tpu.memref_squeeze %dma_start3A_11 : memref<1x64xi32, #tpu.memory_space<vmem>> -> memref<64xi32, #tpu.memory_space<vmem>>
    %dma_start3A_13 = arith.constant 0 : i32
    %dma_start3A_14 = arith.constant 0 : i32
    %dma_start3A_15 = tpu.memref_slice %arg4[%dma_start3A_13, %dma_start3A_14] : memref<12288x1024xf32, #tpu.memory_space<hbm>> -> memref<12288x1024xf32, #tpu.memory_space<hbm>>
    tpu.enqueue_indirect_dma source(%arg6 : memref<64x1024xf32, #tpu.memory_space<vmem>>) target(%dma_start3A_15 : memref<12288x1024xf32, #tpu.memory_space<hbm>>) offsets(%dma_start3A_12 : memref<64xi32, #tpu.memory_space<vmem>>) semaphore(%arg8 : memref<!tpu.dma_semaphore, #tpu.memory_space<semaphore_mem>>)
    %dma_wait3A = arith.constant 0 : i32
    %dma_wait3A_16 = arith.constant 0 : i32
    %dma_wait3A_17 = tpu.memref_slice %arg5[%dma_wait3A, %dma_wait3A_16] : memref<2x64xi32, #tpu.memory_space<vmem>> -> memref<1x64xi32, #tpu.memory_space<vmem>>
    %dma_wait3A_18 = tpu.memref_squeeze %dma_wait3A_17 : memref<1x64xi32, #tpu.memory_space<vmem>> -> memref<64xi32, #tpu.memory_space<vmem>>
    %dma_wait3A_19 = arith.constant 0 : i32
    %dma_wait3A_20 = arith.constant 0 : i32
    %dma_wait3A_21 = tpu.memref_slice %arg4[%dma_wait3A_19, %dma_wait3A_20] : memref<12288x1024xf32, #tpu.memory_space<hbm>> -> memref<12288x1024xf32, #tpu.memory_space<hbm>>
    tpu.wait_indirect_dma semaphore(%arg7 : memref<!tpu.dma_semaphore, #tpu.memory_space<semaphore_mem>>) src(%arg6 : memref<64x1024xf32, #tpu.memory_space<vmem>>) dst(%dma_wait3A_21 : memref<12288x1024xf32, #tpu.memory_space<hbm>>)
    %dma_wait3A_22 = arith.constant 1 : i32
    %dma_wait3A_23 = arith.constant 0 : i32
    %dma_wait3A_24 = tpu.memref_slice %arg5[%dma_wait3A_22, %dma_wait3A_23] : memref<2x64xi32, #tpu.memory_space<vmem>> -> memref<1x64xi32, #tpu.memory_space<vmem>>
    %dma_wait3A_25 = tpu.memref_squeeze %dma_wait3A_24 : memref<1x64xi32, #tpu.memory_space<vmem>> -> memref<64xi32, #tpu.memory_space<vmem>>
    %dma_wait3A_26 = arith.constant 0 : i32
    %dma_wait3A_27 = arith.constant 0 : i32
    %dma_wait3A_28 = tpu.memref_slice %arg4[%dma_wait3A_26, %dma_wait3A_27] : memref<12288x1024xf32, #tpu.memory_space<hbm>> -> memref<12288x1024xf32, #tpu.memory_space<hbm>>
    tpu.wait_indirect_dma semaphore(%arg8 : memref<!tpu.dma_semaphore, #tpu.memory_space<semaphore_mem>>) src(%arg6 : memref<64x1024xf32, #tpu.memory_space<vmem>>) dst(%dma_wait3A_28 : memref<12288x1024xf32, #tpu.memory_space<hbm>>)
    return
  }
}

#map = affine_map<(d0, d1) -> (0, 0)>
#map1 = affine_map<(d0, d1) -> (0)>
module attributes {stable_mosaic.version = 14 : i64} {
  func.func @combine(%arg0: i32, %arg1: i32, %arg2: memref<12288x1024xf32, #tpu.memory_space<hbm>>, %arg3: memref<2048xi32, #tpu.memory_space<hbm>>, %arg4: memref<2048xi32, #tpu.memory_space<hbm>>, %arg5: memref<2048x1024xf32, #tpu.memory_space<hbm>>, %arg6: memref<16xi32, #tpu.memory_space<vmem>>, %arg7: memref<16xi32, #tpu.memory_space<vmem>>, %arg8: memref<16x1024xf32, #tpu.memory_space<vmem>>, %arg9: memref<16x1024xf32, #tpu.memory_space<vmem>>, %arg10: memref<!tpu.dma_semaphore, #tpu.memory_space<semaphore_mem>>, %arg11: memref<!tpu.dma_semaphore, #tpu.memory_space<semaphore_mem>>) attributes {dimension_semantics = [#tpu.dimension_semantics<core_parallel>, #tpu.dimension_semantics<subcore_parallel>], iteration_bounds = array<i64: 2, 16>, scalar_prefetch = 0 : i64, scratch_operands = 6 : i64, tpu.core_type = #tpu.core_type<sc_vector_subcore>, window_params = [{transform_indices = #map}, {transform_indices = #map1}, {transform_indices = #map1}, {transform_indices = #map}]} {
    %mul3A = arith.constant 2 : i32
    %mul3A_0 = arith.muli %arg1, %mul3A : i32
    %add3A = arith.addi %mul3A_0, %arg0 : i32
    %mul3A_1 = arith.constant 64 : i32
    %mul3A_2 = arith.muli %add3A, %mul3A_1 : i32
    %add3A_3 = arith.constant 0 : i32
    %add3A_4 = arith.addi %mul3A_2, %add3A_3 : i32
    "tpu.region"() ({
      %run_scoped3A = tpu.sem_alloc : memref<!tpu.dma_semaphore, #tpu.memory_space<semaphore_mem>>
      %dma_start3A_86 = tpu.memref_slice %arg3[%add3A_4] : memref<2048xi32, #tpu.memory_space<hbm>> -> memref<16xi32, #tpu.memory_space<hbm>>
      %dma_start3A_87 = tpu.memref_slice %arg3[%add3A_4] : memref<2048xi32, #tpu.memory_space<hbm>> -> memref<16xi32, #tpu.memory_space<hbm>>
      tpu.enqueue_dma source(%dma_start3A_87 : memref<16xi32, #tpu.memory_space<hbm>>) target(%arg6 : memref<16xi32, #tpu.memory_space<vmem>>) target_semaphore(%run_scoped3A : memref<!tpu.dma_semaphore, #tpu.memory_space<semaphore_mem>>)
      %dma_wait3A_88 = tpu.memref_slice %arg3[%add3A_4] : memref<2048xi32, #tpu.memory_space<hbm>> -> memref<16xi32, #tpu.memory_space<hbm>>
      %dma_wait3A_89 = tpu.memref_slice %arg3[%add3A_4] : memref<2048xi32, #tpu.memory_space<hbm>> -> memref<16xi32, #tpu.memory_space<hbm>>
      tpu.wait_dma2 semaphore(%run_scoped3A : memref<!tpu.dma_semaphore, #tpu.memory_space<semaphore_mem>>) src(%dma_wait3A_89 : memref<16xi32, #tpu.memory_space<hbm>>) dst(%arg6 : memref<16xi32, #tpu.memory_space<vmem>>)
      tpu.yield
    }) : () -> ()
    "tpu.region"() ({
      %run_scoped3A = tpu.sem_alloc : memref<!tpu.dma_semaphore, #tpu.memory_space<semaphore_mem>>
      %dma_start3A_86 = tpu.memref_slice %arg4[%add3A_4] : memref<2048xi32, #tpu.memory_space<hbm>> -> memref<16xi32, #tpu.memory_space<hbm>>
      %dma_start3A_87 = tpu.memref_slice %arg4[%add3A_4] : memref<2048xi32, #tpu.memory_space<hbm>> -> memref<16xi32, #tpu.memory_space<hbm>>
      tpu.enqueue_dma source(%dma_start3A_87 : memref<16xi32, #tpu.memory_space<hbm>>) target(%arg7 : memref<16xi32, #tpu.memory_space<vmem>>) target_semaphore(%run_scoped3A : memref<!tpu.dma_semaphore, #tpu.memory_space<semaphore_mem>>)
      %dma_wait3A_88 = tpu.memref_slice %arg4[%add3A_4] : memref<2048xi32, #tpu.memory_space<hbm>> -> memref<16xi32, #tpu.memory_space<hbm>>
      %dma_wait3A_89 = tpu.memref_slice %arg4[%add3A_4] : memref<2048xi32, #tpu.memory_space<hbm>> -> memref<16xi32, #tpu.memory_space<hbm>>
      tpu.wait_dma2 semaphore(%run_scoped3A : memref<!tpu.dma_semaphore, #tpu.memory_space<semaphore_mem>>) src(%dma_wait3A_89 : memref<16xi32, #tpu.memory_space<hbm>>) dst(%arg7 : memref<16xi32, #tpu.memory_space<vmem>>)
      tpu.yield
    }) : () -> ()
    %dma_start3A = arith.constant 0 : i32
    %dma_start3A_5 = arith.constant 0 : i32
    %dma_start3A_6 = tpu.memref_slice %arg2[%dma_start3A, %dma_start3A_5] : memref<12288x1024xf32, #tpu.memory_space<hbm>> -> memref<12288x1024xf32, #tpu.memory_space<hbm>>
    tpu.enqueue_indirect_dma source(%dma_start3A_6 : memref<12288x1024xf32, #tpu.memory_space<hbm>>) target(%arg8 : memref<16x1024xf32, #tpu.memory_space<vmem>>) offsets(%arg6 : memref<16xi32, #tpu.memory_space<vmem>>) semaphore(%arg10 : memref<!tpu.dma_semaphore, #tpu.memory_space<semaphore_mem>>)
    %dma_start3A_7 = arith.constant 0 : i32
    %dma_start3A_8 = arith.constant 0 : i32
    %dma_start3A_9 = tpu.memref_slice %arg2[%dma_start3A_7, %dma_start3A_8] : memref<12288x1024xf32, #tpu.memory_space<hbm>> -> memref<12288x1024xf32, #tpu.memory_space<hbm>>
    tpu.enqueue_indirect_dma source(%dma_start3A_9 : memref<12288x1024xf32, #tpu.memory_space<hbm>>) target(%arg9 : memref<16x1024xf32, #tpu.memory_space<vmem>>) offsets(%arg7 : memref<16xi32, #tpu.memory_space<vmem>>) semaphore(%arg11 : memref<!tpu.dma_semaphore, #tpu.memory_space<semaphore_mem>>)
    %dma_wait3A = arith.constant 0 : i32
    %dma_wait3A_10 = arith.constant 0 : i32
    %dma_wait3A_11 = tpu.memref_slice %arg2[%dma_wait3A, %dma_wait3A_10] : memref<12288x1024xf32, #tpu.memory_space<hbm>> -> memref<12288x1024xf32, #tpu.memory_space<hbm>>
    tpu.wait_indirect_dma semaphore(%arg10 : memref<!tpu.dma_semaphore, #tpu.memory_space<semaphore_mem>>) src(%dma_wait3A_11 : memref<12288x1024xf32, #tpu.memory_space<hbm>>) dst(%arg8 : memref<16x1024xf32, #tpu.memory_space<vmem>>)
    %dma_wait3A_12 = arith.constant 0 : i32
    %dma_wait3A_13 = arith.constant 0 : i32
    %dma_wait3A_14 = tpu.memref_slice %arg2[%dma_wait3A_12, %dma_wait3A_13] : memref<12288x1024xf32, #tpu.memory_space<hbm>> -> memref<12288x1024xf32, #tpu.memory_space<hbm>>
    tpu.wait_indirect_dma semaphore(%arg11 : memref<!tpu.dma_semaphore, #tpu.memory_space<semaphore_mem>>) src(%dma_wait3A_14 : memref<12288x1024xf32, #tpu.memory_space<hbm>>) dst(%arg9 : memref<16x1024xf32, #tpu.memory_space<vmem>>)
    %scan3A = arith.constant 0 : i32
    %scan3A_15 = arith.constant 0 : i32
    %scan3A_16 = arith.constant 1024 : i32
    %scan3A_17 = arith.addi %scan3A_15, %scan3A_16 : i32
    %scan3A_18 = arith.constant 4 : i32
    scf.for %scan3A_86 = %scan3A_15 to %scan3A_17 step %scan3A_18  : i32 {
      %jit3A = arith.constant 64 : i32
      %div3A = arith.divsi %scan3A_86, %jit3A : i32
      %sign3A = arith.constant 0 : i32
      %sign3A_87 = arith.cmpi sgt, %scan3A_86, %sign3A : i32
      %sign3A_88 = arith.extui %sign3A_87 : i1 to i32
      %sign3A_89 = arith.constant 0 : i32
      %sign3A_90 = arith.cmpi slt, %scan3A_86, %sign3A_89 : i32
      %sign3A_91 = arith.extui %sign3A_90 : i1 to i32
      %sign3A_92 = arith.subi %sign3A_88, %sign3A_91 : i32
      %sign3A_93 = arith.constant 0 : i32
      %sign3A_94 = arith.cmpi sgt, %jit3A, %sign3A_93 : i32
      %sign3A_95 = arith.extui %sign3A_94 : i1 to i32
      %sign3A_96 = arith.constant 0 : i32
      %sign3A_97 = arith.cmpi slt, %jit3A, %sign3A_96 : i32
      %sign3A_98 = arith.extui %sign3A_97 : i1 to i32
      %sign3A_99 = arith.subi %sign3A_95, %sign3A_98 : i32
      %ne3A = arith.cmpi ne, %sign3A_92, %sign3A_99 : i32
      %rem3A = arith.remsi %scan3A_86, %jit3A : i32
      %ne3A_100 = arith.constant 0 : i32
      %ne3A_101 = arith.cmpi ne, %rem3A, %ne3A_100 : i32
      %and3A = arith.andi %ne3A, %ne3A_101 : i1
      %sub3A = arith.constant 1 : i32
      %sub3A_102 = arith.subi %div3A, %sub3A : i32
      %select_n3A = arith.select %and3A, %sub3A_102, %div3A : i32
      %jit3A_103 = arith.constant 64 : i32
      %eq3A = arith.constant 0 : i32
      %eq3A_104 = arith.cmpi eq, %jit3A_103, %eq3A : i32
      %jit3A_105 = arith.constant 1 : i32
      %select_n3A_106 = arith.select %eq3A_104, %jit3A_105, %jit3A_103 : i32
      %rem3A_107 = arith.remsi %scan3A_86, %select_n3A_106 : i32
      %ne3A_108 = arith.constant 0 : i32
      %ne3A_109 = arith.cmpi ne, %rem3A_107, %ne3A_108 : i32
      %lt3A = arith.constant 0 : i32
      %lt3A_110 = arith.cmpi slt, %rem3A_107, %lt3A : i32
      %lt3A_111 = arith.constant 0 : i32
      %lt3A_112 = arith.cmpi slt, %select_n3A_106, %lt3A_111 : i32
      %ne3A_113 = arith.xori %lt3A_110, %lt3A_112 : i1
      %and3A_114 = arith.andi %ne3A_113, %ne3A_109 : i1
      %add3A_115 = arith.addi %rem3A_107, %select_n3A_106 : i32
      %select_n3A_116 = arith.select %and3A_114, %add3A_115, %rem3A_107 : i32
      %mul3A_117 = arith.constant 16 : i32
      %mul3A_118 = arith.muli %select_n3A_116, %mul3A_117 : i32
      %get3A = arith.index_cast %select_n3A : i32 to index
      %get3A_119 = arith.index_cast %mul3A_118 : i32 to index
      %get3A_120 = tpu.vector_load %arg8[%get3A, %get3A_119] {strides = array<i32>} : memref<16x1024xf32, #tpu.memory_space<vmem>>, vector<1x16xf32>,
      %get3A_121 = vector.shape_cast %get3A_120 : vector<1x16xf32> to vector<16xf32>
      %get3A_122 = arith.index_cast %select_n3A : i32 to index
      %get3A_123 = arith.index_cast %mul3A_118 : i32 to index
      %get3A_124 = tpu.vector_load %arg9[%get3A_122, %get3A_123] {strides = array<i32>} : memref<16x1024xf32, #tpu.memory_space<vmem>>, vector<1x16xf32>,
      %get3A_125 = vector.shape_cast %get3A_124 : vector<1x16xf32> to vector<16xf32>
      %add3A_126 = arith.addf %get3A_121, %get3A_125 : vector<16xf32>
      %swap3A = arith.index_cast %select_n3A : i32 to index
      %swap3A_127 = arith.index_cast %mul3A_118 : i32 to index
      %swap3A_128 = tpu.vector_load %arg8[%swap3A, %swap3A_127] {strides = array<i32>} : memref<16x1024xf32, #tpu.memory_space<vmem>>, vector<1x16xf32>,
      %swap3A_129 = vector.shape_cast %swap3A_128 : vector<1x16xf32> to vector<16xf32>
      %swap3A_130 = vector.shape_cast %add3A_126 : vector<16xf32> to vector<1x16xf32>
      tpu.vector_store %arg8[%swap3A, %swap3A_127], %swap3A_130 {strides = array<i32>} : memref<16x1024xf32, #tpu.memory_space<vmem>>, vector<1x16xf32>,
      %scan3A_131 = arith.constant 1 : i32
      %scan3A_132 = arith.addi %scan3A_86, %scan3A_131 : i32
      %jit3A_133 = arith.constant 64 : i32
      %div3A_134 = arith.divsi %scan3A_132, %jit3A_133 : i32
      %sign3A_135 = arith.constant 0 : i32
      %sign3A_136 = arith.cmpi sgt, %scan3A_132, %sign3A_135 : i32
      %sign3A_137 = arith.extui %sign3A_136 : i1 to i32
      %sign3A_138 = arith.constant 0 : i32
      %sign3A_139 = arith.cmpi slt, %scan3A_132, %sign3A_138 : i32
      %sign3A_140 = arith.extui %sign3A_139 : i1 to i32
      %sign3A_141 = arith.subi %sign3A_137, %sign3A_140 : i32
      %sign3A_142 = arith.constant 0 : i32
      %sign3A_143 = arith.cmpi sgt, %jit3A_133, %sign3A_142 : i32
      %sign3A_144 = arith.extui %sign3A_143 : i1 to i32
      %sign3A_145 = arith.constant 0 : i32
      %sign3A_146 = arith.cmpi slt, %jit3A_133, %sign3A_145 : i32
      %sign3A_147 = arith.extui %sign3A_146 : i1 to i32
      %sign3A_148 = arith.subi %sign3A_144, %sign3A_147 : i32
      %ne3A_149 = arith.cmpi ne, %sign3A_141, %sign3A_148 : i32
      %rem3A_150 = arith.remsi %scan3A_132, %jit3A_133 : i32
      %ne3A_151 = arith.constant 0 : i32
      %ne3A_152 = arith.cmpi ne, %rem3A_150, %ne3A_151 : i32
      %and3A_153 = arith.andi %ne3A_149, %ne3A_152 : i1
      %sub3A_154 = arith.constant 1 : i32
      %sub3A_155 = arith.subi %div3A_134, %sub3A_154 : i32
      %select_n3A_156 = arith.select %and3A_153, %sub3A_155, %div3A_134 : i32
      %jit3A_157 = arith.constant 64 : i32
      %eq3A_158 = arith.constant 0 : i32
      %eq3A_159 = arith.cmpi eq, %jit3A_157, %eq3A_158 : i32
      %jit3A_160 = arith.constant 1 : i32
      %select_n3A_161 = arith.select %eq3A_159, %jit3A_160, %jit3A_157 : i32
      %rem3A_162 = arith.remsi %scan3A_132, %select_n3A_161 : i32
      %ne3A_163 = arith.constant 0 : i32
      %ne3A_164 = arith.cmpi ne, %rem3A_162, %ne3A_163 : i32
      %lt3A_165 = arith.constant 0 : i32
      %lt3A_166 = arith.cmpi slt, %rem3A_162, %lt3A_165 : i32
      %lt3A_167 = arith.constant 0 : i32
      %lt3A_168 = arith.cmpi slt, %select_n3A_161, %lt3A_167 : i32
      %ne3A_169 = arith.xori %lt3A_166, %lt3A_168 : i1
      %and3A_170 = arith.andi %ne3A_169, %ne3A_164 : i1
      %add3A_171 = arith.addi %rem3A_162, %select_n3A_161 : i32
      %select_n3A_172 = arith.select %and3A_170, %add3A_171, %rem3A_162 : i32
      %mul3A_173 = arith.constant 16 : i32
      %mul3A_174 = arith.muli %select_n3A_172, %mul3A_173 : i32
      %get3A_175 = arith.index_cast %select_n3A_156 : i32 to index
      %get3A_176 = arith.index_cast %mul3A_174 : i32 to index
      %get3A_177 = tpu.vector_load %arg8[%get3A_175, %get3A_176] {strides = array<i32>} : memref<16x1024xf32, #tpu.memory_space<vmem>>, vector<1x16xf32>,
      %get3A_178 = vector.shape_cast %get3A_177 : vector<1x16xf32> to vector<16xf32>
      %get3A_179 = arith.index_cast %select_n3A_156 : i32 to index
      %get3A_180 = arith.index_cast %mul3A_174 : i32 to index
      %get3A_181 = tpu.vector_load %arg9[%get3A_179, %get3A_180] {strides = array<i32>} : memref<16x1024xf32, #tpu.memory_space<vmem>>, vector<1x16xf32>,
      %get3A_182 = vector.shape_cast %get3A_181 : vector<1x16xf32> to vector<16xf32>
      %add3A_183 = arith.addf %get3A_178, %get3A_182 : vector<16xf32>
      %swap3A_184 = arith.index_cast %select_n3A_156 : i32 to index
      %swap3A_185 = arith.index_cast %mul3A_174 : i32 to index
      %swap3A_186 = tpu.vector_load %arg8[%swap3A_184, %swap3A_185] {strides = array<i32>} : memref<16x1024xf32, #tpu.memory_space<vmem>>, vector<1x16xf32>,
      %swap3A_187 = vector.shape_cast %swap3A_186 : vector<1x16xf32> to vector<16xf32>
      %swap3A_188 = vector.shape_cast %add3A_183 : vector<16xf32> to vector<1x16xf32>
      tpu.vector_store %arg8[%swap3A_184, %swap3A_185], %swap3A_188 {strides = array<i32>} : memref<16x1024xf32, #tpu.memory_space<vmem>>, vector<1x16xf32>,
      %scan3A_189 = arith.constant 2 : i32
      %scan3A_190 = arith.addi %scan3A_86, %scan3A_189 : i32
      %jit3A_191 = arith.constant 64 : i32
      %div3A_192 = arith.divsi %scan3A_190, %jit3A_191 : i32
      %sign3A_193 = arith.constant 0 : i32
      %sign3A_194 = arith.cmpi sgt, %scan3A_190, %sign3A_193 : i32
      %sign3A_195 = arith.extui %sign3A_194 : i1 to i32
      %sign3A_196 = arith.constant 0 : i32
      %sign3A_197 = arith.cmpi slt, %scan3A_190, %sign3A_196 : i32
      %sign3A_198 = arith.extui %sign3A_197 : i1 to i32
      %sign3A_199 = arith.subi %sign3A_195, %sign3A_198 : i32
      %sign3A_200 = arith.constant 0 : i32
      %sign3A_201 = arith.cmpi sgt, %jit3A_191, %sign3A_200 : i32
      %sign3A_202 = arith.extui %sign3A_201 : i1 to i32
      %sign3A_203 = arith.constant 0 : i32
      %sign3A_204 = arith.cmpi slt, %jit3A_191, %sign3A_203 : i32
      %sign3A_205 = arith.extui %sign3A_204 : i1 to i32
      %sign3A_206 = arith.subi %sign3A_202, %sign3A_205 : i32
      %ne3A_207 = arith.cmpi ne, %sign3A_199, %sign3A_206 : i32
      %rem3A_208 = arith.remsi %scan3A_190, %jit3A_191 : i32
      %ne3A_209 = arith.constant 0 : i32
      %ne3A_210 = arith.cmpi ne, %rem3A_208, %ne3A_209 : i32
      %and3A_211 = arith.andi %ne3A_207, %ne3A_210 : i1
      %sub3A_212 = arith.constant 1 : i32
      %sub3A_213 = arith.subi %div3A_192, %sub3A_212 : i32
      %select_n3A_214 = arith.select %and3A_211, %sub3A_213, %div3A_192 : i32
      %jit3A_215 = arith.constant 64 : i32
      %eq3A_216 = arith.constant 0 : i32
      %eq3A_217 = arith.cmpi eq, %jit3A_215, %eq3A_216 : i32
      %jit3A_218 = arith.constant 1 : i32
      %select_n3A_219 = arith.select %eq3A_217, %jit3A_218, %jit3A_215 : i32
      %rem3A_220 = arith.remsi %scan3A_190, %select_n3A_219 : i32
      %ne3A_221 = arith.constant 0 : i32
      %ne3A_222 = arith.cmpi ne, %rem3A_220, %ne3A_221 : i32
      %lt3A_223 = arith.constant 0 : i32
      %lt3A_224 = arith.cmpi slt, %rem3A_220, %lt3A_223 : i32
      %lt3A_225 = arith.constant 0 : i32
      %lt3A_226 = arith.cmpi slt, %select_n3A_219, %lt3A_225 : i32
      %ne3A_227 = arith.xori %lt3A_224, %lt3A_226 : i1
      %and3A_228 = arith.andi %ne3A_227, %ne3A_222 : i1
      %add3A_229 = arith.addi %rem3A_220, %select_n3A_219 : i32
      %select_n3A_230 = arith.select %and3A_228, %add3A_229, %rem3A_220 : i32
      %mul3A_231 = arith.constant 16 : i32
      %mul3A_232 = arith.muli %select_n3A_230, %mul3A_231 : i32
      %get3A_233 = arith.index_cast %select_n3A_214 : i32 to index
      %get3A_234 = arith.index_cast %mul3A_232 : i32 to index
      %get3A_235 = tpu.vector_load %arg8[%get3A_233, %get3A_234] {strides = array<i32>} : memref<16x1024xf32, #tpu.memory_space<vmem>>, vector<1x16xf32>,
      %get3A_236 = vector.shape_cast %get3A_235 : vector<1x16xf32> to vector<16xf32>
      %get3A_237 = arith.index_cast %select_n3A_214 : i32 to index
      %get3A_238 = arith.index_cast %mul3A_232 : i32 to index
      %get3A_239 = tpu.vector_load %arg9[%get3A_237, %get3A_238] {strides = array<i32>} : memref<16x1024xf32, #tpu.memory_space<vmem>>, vector<1x16xf32>,
      %get3A_240 = vector.shape_cast %get3A_239 : vector<1x16xf32> to vector<16xf32>
      %add3A_241 = arith.addf %get3A_236, %get3A_240 : vector<16xf32>
      %swap3A_242 = arith.index_cast %select_n3A_214 : i32 to index
      %swap3A_243 = arith.index_cast %mul3A_232 : i32 to index
      %swap3A_244 = tpu.vector_load %arg8[%swap3A_242, %swap3A_243] {strides = array<i32>} : memref<16x1024xf32, #tpu.memory_space<vmem>>, vector<1x16xf32>,
      %swap3A_245 = vector.shape_cast %swap3A_244 : vector<1x16xf32> to vector<16xf32>
      %swap3A_246 = vector.shape_cast %add3A_241 : vector<16xf32> to vector<1x16xf32>
      tpu.vector_store %arg8[%swap3A_242, %swap3A_243], %swap3A_246 {strides = array<i32>} : memref<16x1024xf32, #tpu.memory_space<vmem>>, vector<1x16xf32>,
      %scan3A_247 = arith.constant 3 : i32
      %scan3A_248 = arith.addi %scan3A_86, %scan3A_247 : i32
      %jit3A_249 = arith.constant 64 : i32
      %div3A_250 = arith.divsi %scan3A_248, %jit3A_249 : i32
      %sign3A_251 = arith.constant 0 : i32
      %sign3A_252 = arith.cmpi sgt, %scan3A_248, %sign3A_251 : i32
      %sign3A_253 = arith.extui %sign3A_252 : i1 to i32
      %sign3A_254 = arith.constant 0 : i32
      %sign3A_255 = arith.cmpi slt, %scan3A_248, %sign3A_254 : i32
      %sign3A_256 = arith.extui %sign3A_255 : i1 to i32
      %sign3A_257 = arith.subi %sign3A_253, %sign3A_256 : i32
      %sign3A_258 = arith.constant 0 : i32
      %sign3A_259 = arith.cmpi sgt, %jit3A_249, %sign3A_258 : i32
      %sign3A_260 = arith.extui %sign3A_259 : i1 to i32
      %sign3A_261 = arith.constant 0 : i32
      %sign3A_262 = arith.cmpi slt, %jit3A_249, %sign3A_261 : i32
      %sign3A_263 = arith.extui %sign3A_262 : i1 to i32
      %sign3A_264 = arith.subi %sign3A_260, %sign3A_263 : i32
      %ne3A_265 = arith.cmpi ne, %sign3A_257, %sign3A_264 : i32
      %rem3A_266 = arith.remsi %scan3A_248, %jit3A_249 : i32
      %ne3A_267 = arith.constant 0 : i32
      %ne3A_268 = arith.cmpi ne, %rem3A_266, %ne3A_267 : i32
      %and3A_269 = arith.andi %ne3A_265, %ne3A_268 : i1
      %sub3A_270 = arith.constant 1 : i32
      %sub3A_271 = arith.subi %div3A_250, %sub3A_270 : i32
      %select_n3A_272 = arith.select %and3A_269, %sub3A_271, %div3A_250 : i32
      %jit3A_273 = arith.constant 64 : i32
      %eq3A_274 = arith.constant 0 : i32
      %eq3A_275 = arith.cmpi eq, %jit3A_273, %eq3A_274 : i32
      %jit3A_276 = arith.constant 1 : i32
      %select_n3A_277 = arith.select %eq3A_275, %jit3A_276, %jit3A_273 : i32
      %rem3A_278 = arith.remsi %scan3A_248, %select_n3A_277 : i32
      %ne3A_279 = arith.constant 0 : i32
      %ne3A_280 = arith.cmpi ne, %rem3A_278, %ne3A_279 : i32
      %lt3A_281 = arith.constant 0 : i32
      %lt3A_282 = arith.cmpi slt, %rem3A_278, %lt3A_281 : i32
      %lt3A_283 = arith.constant 0 : i32
      %lt3A_284 = arith.cmpi slt, %select_n3A_277, %lt3A_283 : i32
      %ne3A_285 = arith.xori %lt3A_282, %lt3A_284 : i1
      %and3A_286 = arith.andi %ne3A_285, %ne3A_280 : i1
      %add3A_287 = arith.addi %rem3A_278, %select_n3A_277 : i32
      %select_n3A_288 = arith.select %and3A_286, %add3A_287, %rem3A_278 : i32
      %mul3A_289 = arith.constant 16 : i32
      %mul3A_290 = arith.muli %select_n3A_288, %mul3A_289 : i32
      %get3A_291 = arith.index_cast %select_n3A_272 : i32 to index
      %get3A_292 = arith.index_cast %mul3A_290 : i32 to index
      %get3A_293 = tpu.vector_load %arg8[%get3A_291, %get3A_292] {strides = array<i32>} : memref<16x1024xf32, #tpu.memory_space<vmem>>, vector<1x16xf32>,
      %get3A_294 = vector.shape_cast %get3A_293 : vector<1x16xf32> to vector<16xf32>
      %get3A_295 = arith.index_cast %select_n3A_272 : i32 to index
      %get3A_296 = arith.index_cast %mul3A_290 : i32 to index
      %get3A_297 = tpu.vector_load %arg9[%get3A_295, %get3A_296] {strides = array<i32>} : memref<16x1024xf32, #tpu.memory_space<vmem>>, vector<1x16xf32>,
      %get3A_298 = vector.shape_cast %get3A_297 : vector<1x16xf32> to vector<16xf32>
      %add3A_299 = arith.addf %get3A_294, %get3A_298 : vector<16xf32>
      %swap3A_300 = arith.index_cast %select_n3A_272 : i32 to index
      %swap3A_301 = arith.index_cast %mul3A_290 : i32 to index
      %swap3A_302 = tpu.vector_load %arg8[%swap3A_300, %swap3A_301] {strides = array<i32>} : memref<16x1024xf32, #tpu.memory_space<vmem>>, vector<1x16xf32>,
      %swap3A_303 = vector.shape_cast %swap3A_302 : vector<1x16xf32> to vector<16xf32>
      %swap3A_304 = vector.shape_cast %add3A_299 : vector<16xf32> to vector<1x16xf32>
      tpu.vector_store %arg8[%swap3A_300, %swap3A_301], %swap3A_304 {strides = array<i32>} : memref<16x1024xf32, #tpu.memory_space<vmem>>, vector<1x16xf32>,
    }
    %scan3A_19 = arith.constant 1024 : i32
    "tpu.region"() ({
      %run_scoped3A = tpu.sem_alloc : memref<!tpu.dma_semaphore, #tpu.memory_space<semaphore_mem>>
      %dma_start3A_86 = arith.constant 0 : i32
      %dma_start3A_87 = tpu.memref_slice %arg5[%add3A_4, %dma_start3A_86] : memref<2048x1024xf32, #tpu.memory_space<hbm>> -> memref<16x1024xf32, #tpu.memory_space<hbm>>
      %dma_start3A_88 = arith.constant 0 : i32
      %dma_start3A_89 = tpu.memref_slice %arg5[%add3A_4, %dma_start3A_88] : memref<2048x1024xf32, #tpu.memory_space<hbm>> -> memref<16x1024xf32, #tpu.memory_space<hbm>>
      tpu.enqueue_dma source(%arg8 : memref<16x1024xf32, #tpu.memory_space<vmem>>) target(%dma_start3A_89 : memref<16x1024xf32, #tpu.memory_space<hbm>>) target_semaphore(%run_scoped3A : memref<!tpu.dma_semaphore, #tpu.memory_space<semaphore_mem>>)
      %dma_wait3A_90 = arith.constant 0 : i32
      %dma_wait3A_91 = tpu.memref_slice %arg5[%add3A_4, %dma_wait3A_90] : memref<2048x1024xf32, #tpu.memory_space<hbm>> -> memref<16x1024xf32, #tpu.memory_space<hbm>>
      %dma_wait3A_92 = arith.constant 0 : i32
      %dma_wait3A_93 = tpu.memref_slice %arg5[%add3A_4, %dma_wait3A_92] : memref<2048x1024xf32, #tpu.memory_space<hbm>> -> memref<16x1024xf32, #tpu.memory_space<hbm>>
      tpu.wait_dma2 semaphore(%run_scoped3A : memref<!tpu.dma_semaphore, #tpu.memory_space<semaphore_mem>>) src(%arg8 : memref<16x1024xf32, #tpu.memory_space<vmem>>) dst(%dma_wait3A_93 : memref<16x1024xf32, #tpu.memory_space<hbm>>)
      tpu.yield
    }) : () -> ()
    %mul3A_20 = arith.constant 64 : i32
    %mul3A_21 = arith.muli %add3A, %mul3A_20 : i32
    %add3A_22 = arith.constant 16 : i32
    %add3A_23 = arith.addi %mul3A_21, %add3A_22 : i32
    "tpu.region"() ({
      %run_scoped3A = tpu.sem_alloc : memref<!tpu.dma_semaphore, #tpu.memory_space<semaphore_mem>>
      %dma_start3A_86 = tpu.memref_slice %arg3[%add3A_23] : memref<2048xi32, #tpu.memory_space<hbm>> -> memref<16xi32, #tpu.memory_space<hbm>>
      %dma_start3A_87 = tpu.memref_slice %arg3[%add3A_23] : memref<2048xi32, #tpu.memory_space<hbm>> -> memref<16xi32, #tpu.memory_space<hbm>>
      tpu.enqueue_dma source(%dma_start3A_87 : memref<16xi32, #tpu.memory_space<hbm>>) target(%arg6 : memref<16xi32, #tpu.memory_space<vmem>>) target_semaphore(%run_scoped3A : memref<!tpu.dma_semaphore, #tpu.memory_space<semaphore_mem>>)
      %dma_wait3A_88 = tpu.memref_slice %arg3[%add3A_23] : memref<2048xi32, #tpu.memory_space<hbm>> -> memref<16xi32, #tpu.memory_space<hbm>>
      %dma_wait3A_89 = tpu.memref_slice %arg3[%add3A_23] : memref<2048xi32, #tpu.memory_space<hbm>> -> memref<16xi32, #tpu.memory_space<hbm>>
      tpu.wait_dma2 semaphore(%run_scoped3A : memref<!tpu.dma_semaphore, #tpu.memory_space<semaphore_mem>>) src(%dma_wait3A_89 : memref<16xi32, #tpu.memory_space<hbm>>) dst(%arg6 : memref<16xi32, #tpu.memory_space<vmem>>)
      tpu.yield
    }) : () -> ()
    "tpu.region"() ({
      %run_scoped3A = tpu.sem_alloc : memref<!tpu.dma_semaphore, #tpu.memory_space<semaphore_mem>>
      %dma_start3A_86 = tpu.memref_slice %arg4[%add3A_23] : memref<2048xi32, #tpu.memory_space<hbm>> -> memref<16xi32, #tpu.memory_space<hbm>>
      %dma_start3A_87 = tpu.memref_slice %arg4[%add3A_23] : memref<2048xi32, #tpu.memory_space<hbm>> -> memref<16xi32, #tpu.memory_space<hbm>>
      tpu.enqueue_dma source(%dma_start3A_87 : memref<16xi32, #tpu.memory_space<hbm>>) target(%arg7 : memref<16xi32, #tpu.memory_space<vmem>>) target_semaphore(%run_scoped3A : memref<!tpu.dma_semaphore, #tpu.memory_space<semaphore_mem>>)
      %dma_wait3A_88 = tpu.memref_slice %arg4[%add3A_23] : memref<2048xi32, #tpu.memory_space<hbm>> -> memref<16xi32, #tpu.memory_space<hbm>>
      %dma_wait3A_89 = tpu.memref_slice %arg4[%add3A_23] : memref<2048xi32, #tpu.memory_space<hbm>> -> memref<16xi32, #tpu.memory_space<hbm>>
      tpu.wait_dma2 semaphore(%run_scoped3A : memref<!tpu.dma_semaphore, #tpu.memory_space<semaphore_mem>>) src(%dma_wait3A_89 : memref<16xi32, #tpu.memory_space<hbm>>) dst(%arg7 : memref<16xi32, #tpu.memory_space<vmem>>)
      tpu.yield
    }) : () -> ()
    %dma_start3A_24 = arith.constant 0 : i32
    %dma_start3A_25 = arith.constant 0 : i32
    %dma_start3A_26 = tpu.memref_slice %arg2[%dma_start3A_24, %dma_start3A_25] : memref<12288x1024xf32, #tpu.memory_space<hbm>> -> memref<12288x1024xf32, #tpu.memory_space<hbm>>
    tpu.enqueue_indirect_dma source(%dma_start3A_26 : memref<12288x1024xf32, #tpu.memory_space<hbm>>) target(%arg8 : memref<16x1024xf32, #tpu.memory_space<vmem>>) offsets(%arg6 : memref<16xi32, #tpu.memory_space<vmem>>) semaphore(%arg10 : memref<!tpu.dma_semaphore, #tpu.memory_space<semaphore_mem>>)
    %dma_start3A_27 = arith.constant 0 : i32
    %dma_start3A_28 = arith.constant 0 : i32
    %dma_start3A_29 = tpu.memref_slice %arg2[%dma_start3A_27, %dma_start3A_28] : memref<12288x1024xf32, #tpu.memory_space<hbm>> -> memref<12288x1024xf32, #tpu.memory_space<hbm>>
    tpu.enqueue_indirect_dma source(%dma_start3A_29 : memref<12288x1024xf32, #tpu.memory_space<hbm>>) target(%arg9 : memref<16x1024xf32, #tpu.memory_space<vmem>>) offsets(%arg7 : memref<16xi32, #tpu.memory_space<vmem>>) semaphore(%arg11 : memref<!tpu.dma_semaphore, #tpu.memory_space<semaphore_mem>>)
    %dma_wait3A_30 = arith.constant 0 : i32
    %dma_wait3A_31 = arith.constant 0 : i32
    %dma_wait3A_32 = tpu.memref_slice %arg2[%dma_wait3A_30, %dma_wait3A_31] : memref<12288x1024xf32, #tpu.memory_space<hbm>> -> memref<12288x1024xf32, #tpu.memory_space<hbm>>
    tpu.wait_indirect_dma semaphore(%arg10 : memref<!tpu.dma_semaphore, #tpu.memory_space<semaphore_mem>>) src(%dma_wait3A_32 : memref<12288x1024xf32, #tpu.memory_space<hbm>>) dst(%arg8 : memref<16x1024xf32, #tpu.memory_space<vmem>>)
    %dma_wait3A_33 = arith.constant 0 : i32
    %dma_wait3A_34 = arith.constant 0 : i32
    %dma_wait3A_35 = tpu.memref_slice %arg2[%dma_wait3A_33, %dma_wait3A_34] : memref<12288x1024xf32, #tpu.memory_space<hbm>> -> memref<12288x1024xf32, #tpu.memory_space<hbm>>
    tpu.wait_indirect_dma semaphore(%arg11 : memref<!tpu.dma_semaphore, #tpu.memory_space<semaphore_mem>>) src(%dma_wait3A_35 : memref<12288x1024xf32, #tpu.memory_space<hbm>>) dst(%arg9 : memref<16x1024xf32, #tpu.memory_space<vmem>>)
    %scan3A_36 = arith.constant 0 : i32
    %scan3A_37 = arith.constant 0 : i32
    %scan3A_38 = arith.constant 1024 : i32
    %scan3A_39 = arith.addi %scan3A_37, %scan3A_38 : i32
    %scan3A_40 = arith.constant 4 : i32
    scf.for %scan3A_86 = %scan3A_37 to %scan3A_39 step %scan3A_40  : i32 {
      %jit3A = arith.constant 64 : i32
      %div3A = arith.divsi %scan3A_86, %jit3A : i32
      %sign3A = arith.constant 0 : i32
      %sign3A_87 = arith.cmpi sgt, %scan3A_86, %sign3A : i32
      %sign3A_88 = arith.extui %sign3A_87 : i1 to i32
      %sign3A_89 = arith.constant 0 : i32
      %sign3A_90 = arith.cmpi slt, %scan3A_86, %sign3A_89 : i32
      %sign3A_91 = arith.extui %sign3A_90 : i1 to i32
      %sign3A_92 = arith.subi %sign3A_88, %sign3A_91 : i32
      %sign3A_93 = arith.constant 0 : i32
      %sign3A_94 = arith.cmpi sgt, %jit3A, %sign3A_93 : i32
      %sign3A_95 = arith.extui %sign3A_94 : i1 to i32
      %sign3A_96 = arith.constant 0 : i32
      %sign3A_97 = arith.cmpi slt, %jit3A, %sign3A_96 : i32
      %sign3A_98 = arith.extui %sign3A_97 : i1 to i32
      %sign3A_99 = arith.subi %sign3A_95, %sign3A_98 : i32
      %ne3A = arith.cmpi ne, %sign3A_92, %sign3A_99 : i32
      %rem3A = arith.remsi %scan3A_86, %jit3A : i32
      %ne3A_100 = arith.constant 0 : i32
      %ne3A_101 = arith.cmpi ne, %rem3A, %ne3A_100 : i32
      %and3A = arith.andi %ne3A, %ne3A_101 : i1
      %sub3A = arith.constant 1 : i32
      %sub3A_102 = arith.subi %div3A, %sub3A : i32
      %select_n3A = arith.select %and3A, %sub3A_102, %div3A : i32
      %jit3A_103 = arith.constant 64 : i32
      %eq3A = arith.constant 0 : i32
      %eq3A_104 = arith.cmpi eq, %jit3A_103, %eq3A : i32
      %jit3A_105 = arith.constant 1 : i32
      %select_n3A_106 = arith.select %eq3A_104, %jit3A_105, %jit3A_103 : i32
      %rem3A_107 = arith.remsi %scan3A_86, %select_n3A_106 : i32
      %ne3A_108 = arith.constant 0 : i32
      %ne3A_109 = arith.cmpi ne, %rem3A_107, %ne3A_108 : i32
      %lt3A = arith.constant 0 : i32
      %lt3A_110 = arith.cmpi slt, %rem3A_107, %lt3A : i32
      %lt3A_111 = arith.constant 0 : i32
      %lt3A_112 = arith.cmpi slt, %select_n3A_106, %lt3A_111 : i32
      %ne3A_113 = arith.xori %lt3A_110, %lt3A_112 : i1
      %and3A_114 = arith.andi %ne3A_113, %ne3A_109 : i1
      %add3A_115 = arith.addi %rem3A_107, %select_n3A_106 : i32
      %select_n3A_116 = arith.select %and3A_114, %add3A_115, %rem3A_107 : i32
      %mul3A_117 = arith.constant 16 : i32
      %mul3A_118 = arith.muli %select_n3A_116, %mul3A_117 : i32
      %get3A = arith.index_cast %select_n3A : i32 to index
      %get3A_119 = arith.index_cast %mul3A_118 : i32 to index
      %get3A_120 = tpu.vector_load %arg8[%get3A, %get3A_119] {strides = array<i32>} : memref<16x1024xf32, #tpu.memory_space<vmem>>, vector<1x16xf32>,
      %get3A_121 = vector.shape_cast %get3A_120 : vector<1x16xf32> to vector<16xf32>
      %get3A_122 = arith.index_cast %select_n3A : i32 to index
      %get3A_123 = arith.index_cast %mul3A_118 : i32 to index
      %get3A_124 = tpu.vector_load %arg9[%get3A_122, %get3A_123] {strides = array<i32>} : memref<16x1024xf32, #tpu.memory_space<vmem>>, vector<1x16xf32>,
      %get3A_125 = vector.shape_cast %get3A_124 : vector<1x16xf32> to vector<16xf32>
      %add3A_126 = arith.addf %get3A_121, %get3A_125 : vector<16xf32>
      %swap3A = arith.index_cast %select_n3A : i32 to index
      %swap3A_127 = arith.index_cast %mul3A_118 : i32 to index
      %swap3A_128 = tpu.vector_load %arg8[%swap3A, %swap3A_127] {strides = array<i32>} : memref<16x1024xf32, #tpu.memory_space<vmem>>, vector<1x16xf32>,
      %swap3A_129 = vector.shape_cast %swap3A_128 : vector<1x16xf32> to vector<16xf32>
      %swap3A_130 = vector.shape_cast %add3A_126 : vector<16xf32> to vector<1x16xf32>
      tpu.vector_store %arg8[%swap3A, %swap3A_127], %swap3A_130 {strides = array<i32>} : memref<16x1024xf32, #tpu.memory_space<vmem>>, vector<1x16xf32>,
      %scan3A_131 = arith.constant 1 : i32
      %scan3A_132 = arith.addi %scan3A_86, %scan3A_131 : i32
      %jit3A_133 = arith.constant 64 : i32
      %div3A_134 = arith.divsi %scan3A_132, %jit3A_133 : i32
      %sign3A_135 = arith.constant 0 : i32
      %sign3A_136 = arith.cmpi sgt, %scan3A_132, %sign3A_135 : i32
      %sign3A_137 = arith.extui %sign3A_136 : i1 to i32
      %sign3A_138 = arith.constant 0 : i32
      %sign3A_139 = arith.cmpi slt, %scan3A_132, %sign3A_138 : i32
      %sign3A_140 = arith.extui %sign3A_139 : i1 to i32
      %sign3A_141 = arith.subi %sign3A_137, %sign3A_140 : i32
      %sign3A_142 = arith.constant 0 : i32
      %sign3A_143 = arith.cmpi sgt, %jit3A_133, %sign3A_142 : i32
      %sign3A_144 = arith.extui %sign3A_143 : i1 to i32
      %sign3A_145 = arith.constant 0 : i32
      %sign3A_146 = arith.cmpi slt, %jit3A_133, %sign3A_145 : i32
      %sign3A_147 = arith.extui %sign3A_146 : i1 to i32
      %sign3A_148 = arith.subi %sign3A_144, %sign3A_147 : i32
      %ne3A_149 = arith.cmpi ne, %sign3A_141, %sign3A_148 : i32
      %rem3A_150 = arith.remsi %scan3A_132, %jit3A_133 : i32
      %ne3A_151 = arith.constant 0 : i32
      %ne3A_152 = arith.cmpi ne, %rem3A_150, %ne3A_151 : i32
      %and3A_153 = arith.andi %ne3A_149, %ne3A_152 : i1
      %sub3A_154 = arith.constant 1 : i32
      %sub3A_155 = arith.subi %div3A_134, %sub3A_154 : i32
      %select_n3A_156 = arith.select %and3A_153, %sub3A_155, %div3A_134 : i32
      %jit3A_157 = arith.constant 64 : i32
      %eq3A_158 = arith.constant 0 : i32
      %eq3A_159 = arith.cmpi eq, %jit3A_157, %eq3A_158 : i32
      %jit3A_160 = arith.constant 1 : i32
      %select_n3A_161 = arith.select %eq3A_159, %jit3A_160, %jit3A_157 : i32
      %rem3A_162 = arith.remsi %scan3A_132, %select_n3A_161 : i32
      %ne3A_163 = arith.constant 0 : i32
      %ne3A_164 = arith.cmpi ne, %rem3A_162, %ne3A_163 : i32
      %lt3A_165 = arith.constant 0 : i32
      %lt3A_166 = arith.cmpi slt, %rem3A_162, %lt3A_165 : i32
      %lt3A_167 = arith.constant 0 : i32
      %lt3A_168 = arith.cmpi slt, %select_n3A_161, %lt3A_167 : i32
      %ne3A_169 = arith.xori %lt3A_166, %lt3A_168 : i1
      %and3A_170 = arith.andi %ne3A_169, %ne3A_164 : i1
      %add3A_171 = arith.addi %rem3A_162, %select_n3A_161 : i32
      %select_n3A_172 = arith.select %and3A_170, %add3A_171, %rem3A_162 : i32
      %mul3A_173 = arith.constant 16 : i32
      %mul3A_174 = arith.muli %select_n3A_172, %mul3A_173 : i32
      %get3A_175 = arith.index_cast %select_n3A_156 : i32 to index
      %get3A_176 = arith.index_cast %mul3A_174 : i32 to index
      %get3A_177 = tpu.vector_load %arg8[%get3A_175, %get3A_176] {strides = array<i32>} : memref<16x1024xf32, #tpu.memory_space<vmem>>, vector<1x16xf32>,
      %get3A_178 = vector.shape_cast %get3A_177 : vector<1x16xf32> to vector<16xf32>
      %get3A_179 = arith.index_cast %select_n3A_156 : i32 to index
      %get3A_180 = arith.index_cast %mul3A_174 : i32 to index
      %get3A_181 = tpu.vector_load %arg9[%get3A_179, %get3A_180] {strides = array<i32>} : memref<16x1024xf32, #tpu.memory_space<vmem>>, vector<1x16xf32>,
      %get3A_182 = vector.shape_cast %get3A_181 : vector<1x16xf32> to vector<16xf32>
      %add3A_183 = arith.addf %get3A_178, %get3A_182 : vector<16xf32>
      %swap3A_184 = arith.index_cast %select_n3A_156 : i32 to index
      %swap3A_185 = arith.index_cast %mul3A_174 : i32 to index
      %swap3A_186 = tpu.vector_load %arg8[%swap3A_184, %swap3A_185] {strides = array<i32>} : memref<16x1024xf32, #tpu.memory_space<vmem>>, vector<1x16xf32>,
      %swap3A_187 = vector.shape_cast %swap3A_186 : vector<1x16xf32> to vector<16xf32>
      %swap3A_188 = vector.shape_cast %add3A_183 : vector<16xf32> to vector<1x16xf32>
      tpu.vector_store %arg8[%swap3A_184, %swap3A_185], %swap3A_188 {strides = array<i32>} : memref<16x1024xf32, #tpu.memory_space<vmem>>, vector<1x16xf32>,
      %scan3A_189 = arith.constant 2 : i32
      %scan3A_190 = arith.addi %scan3A_86, %scan3A_189 : i32
      %jit3A_191 = arith.constant 64 : i32
      %div3A_192 = arith.divsi %scan3A_190, %jit3A_191 : i32
      %sign3A_193 = arith.constant 0 : i32
      %sign3A_194 = arith.cmpi sgt, %scan3A_190, %sign3A_193 : i32
      %sign3A_195 = arith.extui %sign3A_194 : i1 to i32
      %sign3A_196 = arith.constant 0 : i32
      %sign3A_197 = arith.cmpi slt, %scan3A_190, %sign3A_196 : i32
      %sign3A_198 = arith.extui %sign3A_197 : i1 to i32
      %sign3A_199 = arith.subi %sign3A_195, %sign3A_198 : i32
      %sign3A_200 = arith.constant 0 : i32
      %sign3A_201 = arith.cmpi sgt, %jit3A_191, %sign3A_200 : i32
      %sign3A_202 = arith.extui %sign3A_201 : i1 to i32
      %sign3A_203 = arith.constant 0 : i32
      %sign3A_204 = arith.cmpi slt, %jit3A_191, %sign3A_203 : i32
      %sign3A_205 = arith.extui %sign3A_204 : i1 to i32
      %sign3A_206 = arith.subi %sign3A_202, %sign3A_205 : i32
      %ne3A_207 = arith.cmpi ne, %sign3A_199, %sign3A_206 : i32
      %rem3A_208 = arith.remsi %scan3A_190, %jit3A_191 : i32
      %ne3A_209 = arith.constant 0 : i32
      %ne3A_210 = arith.cmpi ne, %rem3A_208, %ne3A_209 : i32
      %and3A_211 = arith.andi %ne3A_207, %ne3A_210 : i1
      %sub3A_212 = arith.constant 1 : i32
      %sub3A_213 = arith.subi %div3A_192, %sub3A_212 : i32
      %select_n3A_214 = arith.select %and3A_211, %sub3A_213, %div3A_192 : i32
      %jit3A_215 = arith.constant 64 : i32
      %eq3A_216 = arith.constant 0 : i32
      %eq3A_217 = arith.cmpi eq, %jit3A_215, %eq3A_216 : i32
      %jit3A_218 = arith.constant 1 : i32
      %select_n3A_219 = arith.select %eq3A_217, %jit3A_218, %jit3A_215 : i32
      %rem3A_220 = arith.remsi %scan3A_190, %select_n3A_219 : i32
      %ne3A_221 = arith.constant 0 : i32
      %ne3A_222 = arith.cmpi ne, %rem3A_220, %ne3A_221 : i32
      %lt3A_223 = arith.constant 0 : i32
      %lt3A_224 = arith.cmpi slt, %rem3A_220, %lt3A_223 : i32
      %lt3A_225 = arith.constant 0 : i32
      %lt3A_226 = arith.cmpi slt, %select_n3A_219, %lt3A_225 : i32
      %ne3A_227 = arith.xori %lt3A_224, %lt3A_226 : i1
      %and3A_228 = arith.andi %ne3A_227, %ne3A_222 : i1
      %add3A_229 = arith.addi %rem3A_220, %select_n3A_219 : i32
      %select_n3A_230 = arith.select %and3A_228, %add3A_229, %rem3A_220 : i32
      %mul3A_231 = arith.constant 16 : i32
      %mul3A_232 = arith.muli %select_n3A_230, %mul3A_231 : i32
      %get3A_233 = arith.index_cast %select_n3A_214 : i32 to index
      %get3A_234 = arith.index_cast %mul3A_232 : i32 to index
      %get3A_235 = tpu.vector_load %arg8[%get3A_233, %get3A_234] {strides = array<i32>} : memref<16x1024xf32, #tpu.memory_space<vmem>>, vector<1x16xf32>,
      %get3A_236 = vector.shape_cast %get3A_235 : vector<1x16xf32> to vector<16xf32>
      %get3A_237 = arith.index_cast %select_n3A_214 : i32 to index
      %get3A_238 = arith.index_cast %mul3A_232 : i32 to index
      %get3A_239 = tpu.vector_load %arg9[%get3A_237, %get3A_238] {strides = array<i32>} : memref<16x1024xf32, #tpu.memory_space<vmem>>, vector<1x16xf32>,
      %get3A_240 = vector.shape_cast %get3A_239 : vector<1x16xf32> to vector<16xf32>
      %add3A_241 = arith.addf %get3A_236, %get3A_240 : vector<16xf32>
      %swap3A_242 = arith.index_cast %select_n3A_214 : i32 to index
      %swap3A_243 = arith.index_cast %mul3A_232 : i32 to index
      %swap3A_244 = tpu.vector_load %arg8[%swap3A_242, %swap3A_243] {strides = array<i32>} : memref<16x1024xf32, #tpu.memory_space<vmem>>, vector<1x16xf32>,
      %swap3A_245 = vector.shape_cast %swap3A_244 : vector<1x16xf32> to vector<16xf32>
      %swap3A_246 = vector.shape_cast %add3A_241 : vector<16xf32> to vector<1x16xf32>
      tpu.vector_store %arg8[%swap3A_242, %swap3A_243], %swap3A_246 {strides = array<i32>} : memref<16x1024xf32, #tpu.memory_space<vmem>>, vector<1x16xf32>,
      %scan3A_247 = arith.constant 3 : i32
      %scan3A_248 = arith.addi %scan3A_86, %scan3A_247 : i32
      %jit3A_249 = arith.constant 64 : i32
      %div3A_250 = arith.divsi %scan3A_248, %jit3A_249 : i32
      %sign3A_251 = arith.constant 0 : i32
      %sign3A_252 = arith.cmpi sgt, %scan3A_248, %sign3A_251 : i32
      %sign3A_253 = arith.extui %sign3A_252 : i1 to i32
      %sign3A_254 = arith.constant 0 : i32
      %sign3A_255 = arith.cmpi slt, %scan3A_248, %sign3A_254 : i32
      %sign3A_256 = arith.extui %sign3A_255 : i1 to i32
      %sign3A_257 = arith.subi %sign3A_253, %sign3A_256 : i32
      %sign3A_258 = arith.constant 0 : i32
      %sign3A_259 = arith.cmpi sgt, %jit3A_249, %sign3A_258 : i32
      %sign3A_260 = arith.extui %sign3A_259 : i1 to i32
      %sign3A_261 = arith.constant 0 : i32
      %sign3A_262 = arith.cmpi slt, %jit3A_249, %sign3A_261 : i32
      %sign3A_263 = arith.extui %sign3A_262 : i1 to i32
      %sign3A_264 = arith.subi %sign3A_260, %sign3A_263 : i32
      %ne3A_265 = arith.cmpi ne, %sign3A_257, %sign3A_264 : i32
      %rem3A_266 = arith.remsi %scan3A_248, %jit3A_249 : i32
      %ne3A_267 = arith.constant 0 : i32
      %ne3A_268 = arith.cmpi ne, %rem3A_266, %ne3A_267 : i32
      %and3A_269 = arith.andi %ne3A_265, %ne3A_268 : i1
      %sub3A_270 = arith.constant 1 : i32
      %sub3A_271 = arith.subi %div3A_250, %sub3A_270 : i32
      %select_n3A_272 = arith.select %and3A_269, %sub3A_271, %div3A_250 : i32
      %jit3A_273 = arith.constant 64 : i32
      %eq3A_274 = arith.constant 0 : i32
      %eq3A_275 = arith.cmpi eq, %jit3A_273, %eq3A_274 : i32
      %jit3A_276 = arith.constant 1 : i32
      %select_n3A_277 = arith.select %eq3A_275, %jit3A_276, %jit3A_273 : i32
      %rem3A_278 = arith.remsi %scan3A_248, %select_n3A_277 : i32
      %ne3A_279 = arith.constant 0 : i32
      %ne3A_280 = arith.cmpi ne, %rem3A_278, %ne3A_279 : i32
      %lt3A_281 = arith.constant 0 : i32
      %lt3A_282 = arith.cmpi slt, %rem3A_278, %lt3A_281 : i32
      %lt3A_283 = arith.constant 0 : i32
      %lt3A_284 = arith.cmpi slt, %select_n3A_277, %lt3A_283 : i32
      %ne3A_285 = arith.xori %lt3A_282, %lt3A_284 : i1
      %and3A_286 = arith.andi %ne3A_285, %ne3A_280 : i1
      %add3A_287 = arith.addi %rem3A_278, %select_n3A_277 : i32
      %select_n3A_288 = arith.select %and3A_286, %add3A_287, %rem3A_278 : i32
      %mul3A_289 = arith.constant 16 : i32
      %mul3A_290 = arith.muli %select_n3A_288, %mul3A_289 : i32
      %get3A_291 = arith.index_cast %select_n3A_272 : i32 to index
      %get3A_292 = arith.index_cast %mul3A_290 : i32 to index
      %get3A_293 = tpu.vector_load %arg8[%get3A_291, %get3A_292] {strides = array<i32>} : memref<16x1024xf32, #tpu.memory_space<vmem>>, vector<1x16xf32>,
      %get3A_294 = vector.shape_cast %get3A_293 : vector<1x16xf32> to vector<16xf32>
      %get3A_295 = arith.index_cast %select_n3A_272 : i32 to index
      %get3A_296 = arith.index_cast %mul3A_290 : i32 to index
      %get3A_297 = tpu.vector_load %arg9[%get3A_295, %get3A_296] {strides = array<i32>} : memref<16x1024xf32, #tpu.memory_space<vmem>>, vector<1x16xf32>,
      %get3A_298 = vector.shape_cast %get3A_297 : vector<1x16xf32> to vector<16xf32>
      %add3A_299 = arith.addf %get3A_294, %get3A_298 : vector<16xf32>
      %swap3A_300 = arith.index_cast %select_n3A_272 : i32 to index
      %swap3A_301 = arith.index_cast %mul3A_290 : i32 to index
      %swap3A_302 = tpu.vector_load %arg8[%swap3A_300, %swap3A_301] {strides = array<i32>} : memref<16x1024xf32, #tpu.memory_space<vmem>>, vector<1x16xf32>,
      %swap3A_303 = vector.shape_cast %swap3A_302 : vector<1x16xf32> to vector<16xf32>
      %swap3A_304 = vector.shape_cast %add3A_299 : vector<16xf32> to vector<1x16xf32>
      tpu.vector_store %arg8[%swap3A_300, %swap3A_301], %swap3A_304 {strides = array<i32>} : memref<16x1024xf32, #tpu.memory_space<vmem>>, vector<1x16xf32>,
    }
    %scan3A_41 = arith.constant 1024 : i32
    "tpu.region"() ({
      %run_scoped3A = tpu.sem_alloc : memref<!tpu.dma_semaphore, #tpu.memory_space<semaphore_mem>>
      %dma_start3A_86 = arith.constant 0 : i32
      %dma_start3A_87 = tpu.memref_slice %arg5[%add3A_23, %dma_start3A_86] : memref<2048x1024xf32, #tpu.memory_space<hbm>> -> memref<16x1024xf32, #tpu.memory_space<hbm>>
      %dma_start3A_88 = arith.constant 0 : i32
      %dma_start3A_89 = tpu.memref_slice %arg5[%add3A_23, %dma_start3A_88] : memref<2048x1024xf32, #tpu.memory_space<hbm>> -> memref<16x1024xf32, #tpu.memory_space<hbm>>
      tpu.enqueue_dma source(%arg8 : memref<16x1024xf32, #tpu.memory_space<vmem>>) target(%dma_start3A_89 : memref<16x1024xf32, #tpu.memory_space<hbm>>) target_semaphore(%run_scoped3A : memref<!tpu.dma_semaphore, #tpu.memory_space<semaphore_mem>>)
      %dma_wait3A_90 = arith.constant 0 : i32
      %dma_wait3A_91 = tpu.memref_slice %arg5[%add3A_23, %dma_wait3A_90] : memref<2048x1024xf32, #tpu.memory_space<hbm>> -> memref<16x1024xf32, #tpu.memory_space<hbm>>
      %dma_wait3A_92 = arith.constant 0 : i32
      %dma_wait3A_93 = tpu.memref_slice %arg5[%add3A_23, %dma_wait3A_92] : memref<2048x1024xf32, #tpu.memory_space<hbm>> -> memref<16x1024xf32, #tpu.memory_space<hbm>>
      tpu.wait_dma2 semaphore(%run_scoped3A : memref<!tpu.dma_semaphore, #tpu.memory_space<semaphore_mem>>) src(%arg8 : memref<16x1024xf32, #tpu.memory_space<vmem>>) dst(%dma_wait3A_93 : memref<16x1024xf32, #tpu.memory_space<hbm>>)
      tpu.yield
    }) : () -> ()
    %mul3A_42 = arith.constant 64 : i32
    %mul3A_43 = arith.muli %add3A, %mul3A_42 : i32
    %add3A_44 = arith.constant 32 : i32
    %add3A_45 = arith.addi %mul3A_43, %add3A_44 : i32
    "tpu.region"() ({
      %run_scoped3A = tpu.sem_alloc : memref<!tpu.dma_semaphore, #tpu.memory_space<semaphore_mem>>
      %dma_start3A_86 = tpu.memref_slice %arg3[%add3A_45] : memref<2048xi32, #tpu.memory_space<hbm>> -> memref<16xi32, #tpu.memory_space<hbm>>
      %dma_start3A_87 = tpu.memref_slice %arg3[%add3A_45] : memref<2048xi32, #tpu.memory_space<hbm>> -> memref<16xi32, #tpu.memory_space<hbm>>
      tpu.enqueue_dma source(%dma_start3A_87 : memref<16xi32, #tpu.memory_space<hbm>>) target(%arg6 : memref<16xi32, #tpu.memory_space<vmem>>) target_semaphore(%run_scoped3A : memref<!tpu.dma_semaphore, #tpu.memory_space<semaphore_mem>>)
      %dma_wait3A_88 = tpu.memref_slice %arg3[%add3A_45] : memref<2048xi32, #tpu.memory_space<hbm>> -> memref<16xi32, #tpu.memory_space<hbm>>
      %dma_wait3A_89 = tpu.memref_slice %arg3[%add3A_45] : memref<2048xi32, #tpu.memory_space<hbm>> -> memref<16xi32, #tpu.memory_space<hbm>>
      tpu.wait_dma2 semaphore(%run_scoped3A : memref<!tpu.dma_semaphore, #tpu.memory_space<semaphore_mem>>) src(%dma_wait3A_89 : memref<16xi32, #tpu.memory_space<hbm>>) dst(%arg6 : memref<16xi32, #tpu.memory_space<vmem>>)
      tpu.yield
    }) : () -> ()
    "tpu.region"() ({
      %run_scoped3A = tpu.sem_alloc : memref<!tpu.dma_semaphore, #tpu.memory_space<semaphore_mem>>
      %dma_start3A_86 = tpu.memref_slice %arg4[%add3A_45] : memref<2048xi32, #tpu.memory_space<hbm>> -> memref<16xi32, #tpu.memory_space<hbm>>
      %dma_start3A_87 = tpu.memref_slice %arg4[%add3A_45] : memref<2048xi32, #tpu.memory_space<hbm>> -> memref<16xi32, #tpu.memory_space<hbm>>
      tpu.enqueue_dma source(%dma_start3A_87 : memref<16xi32, #tpu.memory_space<hbm>>) target(%arg7 : memref<16xi32, #tpu.memory_space<vmem>>) target_semaphore(%run_scoped3A : memref<!tpu.dma_semaphore, #tpu.memory_space<semaphore_mem>>)
      %dma_wait3A_88 = tpu.memref_slice %arg4[%add3A_45] : memref<2048xi32, #tpu.memory_space<hbm>> -> memref<16xi32, #tpu.memory_space<hbm>>
      %dma_wait3A_89 = tpu.memref_slice %arg4[%add3A_45] : memref<2048xi32, #tpu.memory_space<hbm>> -> memref<16xi32, #tpu.memory_space<hbm>>
      tpu.wait_dma2 semaphore(%run_scoped3A : memref<!tpu.dma_semaphore, #tpu.memory_space<semaphore_mem>>) src(%dma_wait3A_89 : memref<16xi32, #tpu.memory_space<hbm>>) dst(%arg7 : memref<16xi32, #tpu.memory_space<vmem>>)
      tpu.yield
    }) : () -> ()
    %dma_start3A_46 = arith.constant 0 : i32
    %dma_start3A_47 = arith.constant 0 : i32
    %dma_start3A_48 = tpu.memref_slice %arg2[%dma_start3A_46, %dma_start3A_47] : memref<12288x1024xf32, #tpu.memory_space<hbm>> -> memref<12288x1024xf32, #tpu.memory_space<hbm>>
    tpu.enqueue_indirect_dma source(%dma_start3A_48 : memref<12288x1024xf32, #tpu.memory_space<hbm>>) target(%arg8 : memref<16x1024xf32, #tpu.memory_space<vmem>>) offsets(%arg6 : memref<16xi32, #tpu.memory_space<vmem>>) semaphore(%arg10 : memref<!tpu.dma_semaphore, #tpu.memory_space<semaphore_mem>>)
    %dma_start3A_49 = arith.constant 0 : i32
    %dma_start3A_50 = arith.constant 0 : i32
    %dma_start3A_51 = tpu.memref_slice %arg2[%dma_start3A_49, %dma_start3A_50] : memref<12288x1024xf32, #tpu.memory_space<hbm>> -> memref<12288x1024xf32, #tpu.memory_space<hbm>>
    tpu.enqueue_indirect_dma source(%dma_start3A_51 : memref<12288x1024xf32, #tpu.memory_space<hbm>>) target(%arg9 : memref<16x1024xf32, #tpu.memory_space<vmem>>) offsets(%arg7 : memref<16xi32, #tpu.memory_space<vmem>>) semaphore(%arg11 : memref<!tpu.dma_semaphore, #tpu.memory_space<semaphore_mem>>)
    %dma_wait3A_52 = arith.constant 0 : i32
    %dma_wait3A_53 = arith.constant 0 : i32
    %dma_wait3A_54 = tpu.memref_slice %arg2[%dma_wait3A_52, %dma_wait3A_53] : memref<12288x1024xf32, #tpu.memory_space<hbm>> -> memref<12288x1024xf32, #tpu.memory_space<hbm>>
    tpu.wait_indirect_dma semaphore(%arg10 : memref<!tpu.dma_semaphore, #tpu.memory_space<semaphore_mem>>) src(%dma_wait3A_54 : memref<12288x1024xf32, #tpu.memory_space<hbm>>) dst(%arg8 : memref<16x1024xf32, #tpu.memory_space<vmem>>)
    %dma_wait3A_55 = arith.constant 0 : i32
    %dma_wait3A_56 = arith.constant 0 : i32
    %dma_wait3A_57 = tpu.memref_slice %arg2[%dma_wait3A_55, %dma_wait3A_56] : memref<12288x1024xf32, #tpu.memory_space<hbm>> -> memref<12288x1024xf32, #tpu.memory_space<hbm>>
    tpu.wait_indirect_dma semaphore(%arg11 : memref<!tpu.dma_semaphore, #tpu.memory_space<semaphore_mem>>) src(%dma_wait3A_57 : memref<12288x1024xf32, #tpu.memory_space<hbm>>) dst(%arg9 : memref<16x1024xf32, #tpu.memory_space<vmem>>)
    %scan3A_58 = arith.constant 0 : i32
    %scan3A_59 = arith.constant 0 : i32
    %scan3A_60 = arith.constant 1024 : i32
    %scan3A_61 = arith.addi %scan3A_59, %scan3A_60 : i32
    %scan3A_62 = arith.constant 4 : i32
    scf.for %scan3A_86 = %scan3A_59 to %scan3A_61 step %scan3A_62  : i32 {
      %jit3A = arith.constant 64 : i32
      %div3A = arith.divsi %scan3A_86, %jit3A : i32
      %sign3A = arith.constant 0 : i32
      %sign3A_87 = arith.cmpi sgt, %scan3A_86, %sign3A : i32
      %sign3A_88 = arith.extui %sign3A_87 : i1 to i32
      %sign3A_89 = arith.constant 0 : i32
      %sign3A_90 = arith.cmpi slt, %scan3A_86, %sign3A_89 : i32
      %sign3A_91 = arith.extui %sign3A_90 : i1 to i32
      %sign3A_92 = arith.subi %sign3A_88, %sign3A_91 : i32
      %sign3A_93 = arith.constant 0 : i32
      %sign3A_94 = arith.cmpi sgt, %jit3A, %sign3A_93 : i32
      %sign3A_95 = arith.extui %sign3A_94 : i1 to i32
      %sign3A_96 = arith.constant 0 : i32
      %sign3A_97 = arith.cmpi slt, %jit3A, %sign3A_96 : i32
      %sign3A_98 = arith.extui %sign3A_97 : i1 to i32
      %sign3A_99 = arith.subi %sign3A_95, %sign3A_98 : i32
      %ne3A = arith.cmpi ne, %sign3A_92, %sign3A_99 : i32
      %rem3A = arith.remsi %scan3A_86, %jit3A : i32
      %ne3A_100 = arith.constant 0 : i32
      %ne3A_101 = arith.cmpi ne, %rem3A, %ne3A_100 : i32
      %and3A = arith.andi %ne3A, %ne3A_101 : i1
      %sub3A = arith.constant 1 : i32
      %sub3A_102 = arith.subi %div3A, %sub3A : i32
      %select_n3A = arith.select %and3A, %sub3A_102, %div3A : i32
      %jit3A_103 = arith.constant 64 : i32
      %eq3A = arith.constant 0 : i32
      %eq3A_104 = arith.cmpi eq, %jit3A_103, %eq3A : i32
      %jit3A_105 = arith.constant 1 : i32
      %select_n3A_106 = arith.select %eq3A_104, %jit3A_105, %jit3A_103 : i32
      %rem3A_107 = arith.remsi %scan3A_86, %select_n3A_106 : i32
      %ne3A_108 = arith.constant 0 : i32
      %ne3A_109 = arith.cmpi ne, %rem3A_107, %ne3A_108 : i32
      %lt3A = arith.constant 0 : i32
      %lt3A_110 = arith.cmpi slt, %rem3A_107, %lt3A : i32
      %lt3A_111 = arith.constant 0 : i32
      %lt3A_112 = arith.cmpi slt, %select_n3A_106, %lt3A_111 : i32
      %ne3A_113 = arith.xori %lt3A_110, %lt3A_112 : i1
      %and3A_114 = arith.andi %ne3A_113, %ne3A_109 : i1
      %add3A_115 = arith.addi %rem3A_107, %select_n3A_106 : i32
      %select_n3A_116 = arith.select %and3A_114, %add3A_115, %rem3A_107 : i32
      %mul3A_117 = arith.constant 16 : i32
      %mul3A_118 = arith.muli %select_n3A_116, %mul3A_117 : i32
      %get3A = arith.index_cast %select_n3A : i32 to index
      %get3A_119 = arith.index_cast %mul3A_118 : i32 to index
      %get3A_120 = tpu.vector_load %arg8[%get3A, %get3A_119] {strides = array<i32>} : memref<16x1024xf32, #tpu.memory_space<vmem>>, vector<1x16xf32>,
      %get3A_121 = vector.shape_cast %get3A_120 : vector<1x16xf32> to vector<16xf32>
      %get3A_122 = arith.index_cast %select_n3A : i32 to index
      %get3A_123 = arith.index_cast %mul3A_118 : i32 to index
      %get3A_124 = tpu.vector_load %arg9[%get3A_122, %get3A_123] {strides = array<i32>} : memref<16x1024xf32, #tpu.memory_space<vmem>>, vector<1x16xf32>,
      %get3A_125 = vector.shape_cast %get3A_124 : vector<1x16xf32> to vector<16xf32>
      %add3A_126 = arith.addf %get3A_121, %get3A_125 : vector<16xf32>
      %swap3A = arith.index_cast %select_n3A : i32 to index
      %swap3A_127 = arith.index_cast %mul3A_118 : i32 to index
      %swap3A_128 = tpu.vector_load %arg8[%swap3A, %swap3A_127] {strides = array<i32>} : memref<16x1024xf32, #tpu.memory_space<vmem>>, vector<1x16xf32>,
      %swap3A_129 = vector.shape_cast %swap3A_128 : vector<1x16xf32> to vector<16xf32>
      %swap3A_130 = vector.shape_cast %add3A_126 : vector<16xf32> to vector<1x16xf32>
      tpu.vector_store %arg8[%swap3A, %swap3A_127], %swap3A_130 {strides = array<i32>} : memref<16x1024xf32, #tpu.memory_space<vmem>>, vector<1x16xf32>,
      %scan3A_131 = arith.constant 1 : i32
      %scan3A_132 = arith.addi %scan3A_86, %scan3A_131 : i32
      %jit3A_133 = arith.constant 64 : i32
      %div3A_134 = arith.divsi %scan3A_132, %jit3A_133 : i32
      %sign3A_135 = arith.constant 0 : i32
      %sign3A_136 = arith.cmpi sgt, %scan3A_132, %sign3A_135 : i32
      %sign3A_137 = arith.extui %sign3A_136 : i1 to i32
      %sign3A_138 = arith.constant 0 : i32
      %sign3A_139 = arith.cmpi slt, %scan3A_132, %sign3A_138 : i32
      %sign3A_140 = arith.extui %sign3A_139 : i1 to i32
      %sign3A_141 = arith.subi %sign3A_137, %sign3A_140 : i32
      %sign3A_142 = arith.constant 0 : i32
      %sign3A_143 = arith.cmpi sgt, %jit3A_133, %sign3A_142 : i32
      %sign3A_144 = arith.extui %sign3A_143 : i1 to i32
      %sign3A_145 = arith.constant 0 : i32
      %sign3A_146 = arith.cmpi slt, %jit3A_133, %sign3A_145 : i32
      %sign3A_147 = arith.extui %sign3A_146 : i1 to i32
      %sign3A_148 = arith.subi %sign3A_144, %sign3A_147 : i32
      %ne3A_149 = arith.cmpi ne, %sign3A_141, %sign3A_148 : i32
      %rem3A_150 = arith.remsi %scan3A_132, %jit3A_133 : i32
      %ne3A_151 = arith.constant 0 : i32
      %ne3A_152 = arith.cmpi ne, %rem3A_150, %ne3A_151 : i32
      %and3A_153 = arith.andi %ne3A_149, %ne3A_152 : i1
      %sub3A_154 = arith.constant 1 : i32
      %sub3A_155 = arith.subi %div3A_134, %sub3A_154 : i32
      %select_n3A_156 = arith.select %and3A_153, %sub3A_155, %div3A_134 : i32
      %jit3A_157 = arith.constant 64 : i32
      %eq3A_158 = arith.constant 0 : i32
      %eq3A_159 = arith.cmpi eq, %jit3A_157, %eq3A_158 : i32
      %jit3A_160 = arith.constant 1 : i32
      %select_n3A_161 = arith.select %eq3A_159, %jit3A_160, %jit3A_157 : i32
      %rem3A_162 = arith.remsi %scan3A_132, %select_n3A_161 : i32
      %ne3A_163 = arith.constant 0 : i32
      %ne3A_164 = arith.cmpi ne, %rem3A_162, %ne3A_163 : i32
      %lt3A_165 = arith.constant 0 : i32
      %lt3A_166 = arith.cmpi slt, %rem3A_162, %lt3A_165 : i32
      %lt3A_167 = arith.constant 0 : i32
      %lt3A_168 = arith.cmpi slt, %select_n3A_161, %lt3A_167 : i32
      %ne3A_169 = arith.xori %lt3A_166, %lt3A_168 : i1
      %and3A_170 = arith.andi %ne3A_169, %ne3A_164 : i1
      %add3A_171 = arith.addi %rem3A_162, %select_n3A_161 : i32
      %select_n3A_172 = arith.select %and3A_170, %add3A_171, %rem3A_162 : i32
      %mul3A_173 = arith.constant 16 : i32
      %mul3A_174 = arith.muli %select_n3A_172, %mul3A_173 : i32
      %get3A_175 = arith.index_cast %select_n3A_156 : i32 to index
      %get3A_176 = arith.index_cast %mul3A_174 : i32 to index
      %get3A_177 = tpu.vector_load %arg8[%get3A_175, %get3A_176] {strides = array<i32>} : memref<16x1024xf32, #tpu.memory_space<vmem>>, vector<1x16xf32>,
      %get3A_178 = vector.shape_cast %get3A_177 : vector<1x16xf32> to vector<16xf32>
      %get3A_179 = arith.index_cast %select_n3A_156 : i32 to index
      %get3A_180 = arith.index_cast %mul3A_174 : i32 to index
      %get3A_181 = tpu.vector_load %arg9[%get3A_179, %get3A_180] {strides = array<i32>} : memref<16x1024xf32, #tpu.memory_space<vmem>>, vector<1x16xf32>,
      %get3A_182 = vector.shape_cast %get3A_181 : vector<1x16xf32> to vector<16xf32>
      %add3A_183 = arith.addf %get3A_178, %get3A_182 : vector<16xf32>
      %swap3A_184 = arith.index_cast %select_n3A_156 : i32 to index
      %swap3A_185 = arith.index_cast %mul3A_174 : i32 to index
      %swap3A_186 = tpu.vector_load %arg8[%swap3A_184, %swap3A_185] {strides = array<i32>} : memref<16x1024xf32, #tpu.memory_space<vmem>>, vector<1x16xf32>,
      %swap3A_187 = vector.shape_cast %swap3A_186 : vector<1x16xf32> to vector<16xf32>
      %swap3A_188 = vector.shape_cast %add3A_183 : vector<16xf32> to vector<1x16xf32>
      tpu.vector_store %arg8[%swap3A_184, %swap3A_185], %swap3A_188 {strides = array<i32>} : memref<16x1024xf32, #tpu.memory_space<vmem>>, vector<1x16xf32>,
      %scan3A_189 = arith.constant 2 : i32
      %scan3A_190 = arith.addi %scan3A_86, %scan3A_189 : i32
      %jit3A_191 = arith.constant 64 : i32
      %div3A_192 = arith.divsi %scan3A_190, %jit3A_191 : i32
      %sign3A_193 = arith.constant 0 : i32
      %sign3A_194 = arith.cmpi sgt, %scan3A_190, %sign3A_193 : i32
      %sign3A_195 = arith.extui %sign3A_194 : i1 to i32
      %sign3A_196 = arith.constant 0 : i32
      %sign3A_197 = arith.cmpi slt, %scan3A_190, %sign3A_196 : i32
      %sign3A_198 = arith.extui %sign3A_197 : i1 to i32
      %sign3A_199 = arith.subi %sign3A_195, %sign3A_198 : i32
      %sign3A_200 = arith.constant 0 : i32
      %sign3A_201 = arith.cmpi sgt, %jit3A_191, %sign3A_200 : i32
      %sign3A_202 = arith.extui %sign3A_201 : i1 to i32
      %sign3A_203 = arith.constant 0 : i32
      %sign3A_204 = arith.cmpi slt, %jit3A_191, %sign3A_203 : i32
      %sign3A_205 = arith.extui %sign3A_204 : i1 to i32
      %sign3A_206 = arith.subi %sign3A_202, %sign3A_205 : i32
      %ne3A_207 = arith.cmpi ne, %sign3A_199, %sign3A_206 : i32
      %rem3A_208 = arith.remsi %scan3A_190, %jit3A_191 : i32
      %ne3A_209 = arith.constant 0 : i32
      %ne3A_210 = arith.cmpi ne, %rem3A_208, %ne3A_209 : i32
      %and3A_211 = arith.andi %ne3A_207, %ne3A_210 : i1
      %sub3A_212 = arith.constant 1 : i32
      %sub3A_213 = arith.subi %div3A_192, %sub3A_212 : i32
      %select_n3A_214 = arith.select %and3A_211, %sub3A_213, %div3A_192 : i32
      %jit3A_215 = arith.constant 64 : i32
      %eq3A_216 = arith.constant 0 : i32
      %eq3A_217 = arith.cmpi eq, %jit3A_215, %eq3A_216 : i32
      %jit3A_218 = arith.constant 1 : i32
      %select_n3A_219 = arith.select %eq3A_217, %jit3A_218, %jit3A_215 : i32
      %rem3A_220 = arith.remsi %scan3A_190, %select_n3A_219 : i32
      %ne3A_221 = arith.constant 0 : i32
      %ne3A_222 = arith.cmpi ne, %rem3A_220, %ne3A_221 : i32
      %lt3A_223 = arith.constant 0 : i32
      %lt3A_224 = arith.cmpi slt, %rem3A_220, %lt3A_223 : i32
      %lt3A_225 = arith.constant 0 : i32
      %lt3A_226 = arith.cmpi slt, %select_n3A_219, %lt3A_225 : i32
      %ne3A_227 = arith.xori %lt3A_224, %lt3A_226 : i1
      %and3A_228 = arith.andi %ne3A_227, %ne3A_222 : i1
      %add3A_229 = arith.addi %rem3A_220, %select_n3A_219 : i32
      %select_n3A_230 = arith.select %and3A_228, %add3A_229, %rem3A_220 : i32
      %mul3A_231 = arith.constant 16 : i32
      %mul3A_232 = arith.muli %select_n3A_230, %mul3A_231 : i32
      %get3A_233 = arith.index_cast %select_n3A_214 : i32 to index
      %get3A_234 = arith.index_cast %mul3A_232 : i32 to index
      %get3A_235 = tpu.vector_load %arg8[%get3A_233, %get3A_234] {strides = array<i32>} : memref<16x1024xf32, #tpu.memory_space<vmem>>, vector<1x16xf32>,
      %get3A_236 = vector.shape_cast %get3A_235 : vector<1x16xf32> to vector<16xf32>
      %get3A_237 = arith.index_cast %select_n3A_214 : i32 to index
      %get3A_238 = arith.index_cast %mul3A_232 : i32 to index
      %get3A_239 = tpu.vector_load %arg9[%get3A_237, %get3A_238] {strides = array<i32>} : memref<16x1024xf32, #tpu.memory_space<vmem>>, vector<1x16xf32>,
      %get3A_240 = vector.shape_cast %get3A_239 : vector<1x16xf32> to vector<16xf32>
      %add3A_241 = arith.addf %get3A_236, %get3A_240 : vector<16xf32>
      %swap3A_242 = arith.index_cast %select_n3A_214 : i32 to index
      %swap3A_243 = arith.index_cast %mul3A_232 : i32 to index
      %swap3A_244 = tpu.vector_load %arg8[%swap3A_242, %swap3A_243] {strides = array<i32>} : memref<16x1024xf32, #tpu.memory_space<vmem>>, vector<1x16xf32>,
      %swap3A_245 = vector.shape_cast %swap3A_244 : vector<1x16xf32> to vector<16xf32>
      %swap3A_246 = vector.shape_cast %add3A_241 : vector<16xf32> to vector<1x16xf32>
      tpu.vector_store %arg8[%swap3A_242, %swap3A_243], %swap3A_246 {strides = array<i32>} : memref<16x1024xf32, #tpu.memory_space<vmem>>, vector<1x16xf32>,
      %scan3A_247 = arith.constant 3 : i32
      %scan3A_248 = arith.addi %scan3A_86, %scan3A_247 : i32
      %jit3A_249 = arith.constant 64 : i32
      %div3A_250 = arith.divsi %scan3A_248, %jit3A_249 : i32
      %sign3A_251 = arith.constant 0 : i32
      %sign3A_252 = arith.cmpi sgt, %scan3A_248, %sign3A_251 : i32
      %sign3A_253 = arith.extui %sign3A_252 : i1 to i32
      %sign3A_254 = arith.constant 0 : i32
      %sign3A_255 = arith.cmpi slt, %scan3A_248, %sign3A_254 : i32
      %sign3A_256 = arith.extui %sign3A_255 : i1 to i32
      %sign3A_257 = arith.subi %sign3A_253, %sign3A_256 : i32
      %sign3A_258 = arith.constant 0 : i32
      %sign3A_259 = arith.cmpi sgt, %jit3A_249, %sign3A_258 : i32
      %sign3A_260 = arith.extui %sign3A_259 : i1 to i32
      %sign3A_261 = arith.constant 0 : i32
      %sign3A_262 = arith.cmpi slt, %jit3A_249, %sign3A_261 : i32
      %sign3A_263 = arith.extui %sign3A_262 : i1 to i32
      %sign3A_264 = arith.subi %sign3A_260, %sign3A_263 : i32
      %ne3A_265 = arith.cmpi ne, %sign3A_257, %sign3A_264 : i32
      %rem3A_266 = arith.remsi %scan3A_248, %jit3A_249 : i32
      %ne3A_267 = arith.constant 0 : i32
      %ne3A_268 = arith.cmpi ne, %rem3A_266, %ne3A_267 : i32
      %and3A_269 = arith.andi %ne3A_265, %ne3A_268 : i1
      %sub3A_270 = arith.constant 1 : i32
      %sub3A_271 = arith.subi %div3A_250, %sub3A_270 : i32
      %select_n3A_272 = arith.select %and3A_269, %sub3A_271, %div3A_250 : i32
      %jit3A_273 = arith.constant 64 : i32
      %eq3A_274 = arith.constant 0 : i32
      %eq3A_275 = arith.cmpi eq, %jit3A_273, %eq3A_274 : i32
      %jit3A_276 = arith.constant 1 : i32
      %select_n3A_277 = arith.select %eq3A_275, %jit3A_276, %jit3A_273 : i32
      %rem3A_278 = arith.remsi %scan3A_248, %select_n3A_277 : i32
      %ne3A_279 = arith.constant 0 : i32
      %ne3A_280 = arith.cmpi ne, %rem3A_278, %ne3A_279 : i32
      %lt3A_281 = arith.constant 0 : i32
      %lt3A_282 = arith.cmpi slt, %rem3A_278, %lt3A_281 : i32
      %lt3A_283 = arith.constant 0 : i32
      %lt3A_284 = arith.cmpi slt, %select_n3A_277, %lt3A_283 : i32
      %ne3A_285 = arith.xori %lt3A_282, %lt3A_284 : i1
      %and3A_286 = arith.andi %ne3A_285, %ne3A_280 : i1
      %add3A_287 = arith.addi %rem3A_278, %select_n3A_277 : i32
      %select_n3A_288 = arith.select %and3A_286, %add3A_287, %rem3A_278 : i32
      %mul3A_289 = arith.constant 16 : i32
      %mul3A_290 = arith.muli %select_n3A_288, %mul3A_289 : i32
      %get3A_291 = arith.index_cast %select_n3A_272 : i32 to index
      %get3A_292 = arith.index_cast %mul3A_290 : i32 to index
      %get3A_293 = tpu.vector_load %arg8[%get3A_291, %get3A_292] {strides = array<i32>} : memref<16x1024xf32, #tpu.memory_space<vmem>>, vector<1x16xf32>,
      %get3A_294 = vector.shape_cast %get3A_293 : vector<1x16xf32> to vector<16xf32>
      %get3A_295 = arith.index_cast %select_n3A_272 : i32 to index
      %get3A_296 = arith.index_cast %mul3A_290 : i32 to index
      %get3A_297 = tpu.vector_load %arg9[%get3A_295, %get3A_296] {strides = array<i32>} : memref<16x1024xf32, #tpu.memory_space<vmem>>, vector<1x16xf32>,
      %get3A_298 = vector.shape_cast %get3A_297 : vector<1x16xf32> to vector<16xf32>
      %add3A_299 = arith.addf %get3A_294, %get3A_298 : vector<16xf32>
      %swap3A_300 = arith.index_cast %select_n3A_272 : i32 to index
      %swap3A_301 = arith.index_cast %mul3A_290 : i32 to index
      %swap3A_302 = tpu.vector_load %arg8[%swap3A_300, %swap3A_301] {strides = array<i32>} : memref<16x1024xf32, #tpu.memory_space<vmem>>, vector<1x16xf32>,
      %swap3A_303 = vector.shape_cast %swap3A_302 : vector<1x16xf32> to vector<16xf32>
      %swap3A_304 = vector.shape_cast %add3A_299 : vector<16xf32> to vector<1x16xf32>
      tpu.vector_store %arg8[%swap3A_300, %swap3A_301], %swap3A_304 {strides = array<i32>} : memref<16x1024xf32, #tpu.memory_space<vmem>>, vector<1x16xf32>,
    }
    %scan3A_63 = arith.constant 1024 : i32
    "tpu.region"() ({
      %run_scoped3A = tpu.sem_alloc : memref<!tpu.dma_semaphore, #tpu.memory_space<semaphore_mem>>
      %dma_start3A_86 = arith.constant 0 : i32
      %dma_start3A_87 = tpu.memref_slice %arg5[%add3A_45, %dma_start3A_86] : memref<2048x1024xf32, #tpu.memory_space<hbm>> -> memref<16x1024xf32, #tpu.memory_space<hbm>>
      %dma_start3A_88 = arith.constant 0 : i32
      %dma_start3A_89 = tpu.memref_slice %arg5[%add3A_45, %dma_start3A_88] : memref<2048x1024xf32, #tpu.memory_space<hbm>> -> memref<16x1024xf32, #tpu.memory_space<hbm>>
      tpu.enqueue_dma source(%arg8 : memref<16x1024xf32, #tpu.memory_space<vmem>>) target(%dma_start3A_89 : memref<16x1024xf32, #tpu.memory_space<hbm>>) target_semaphore(%run_scoped3A : memref<!tpu.dma_semaphore, #tpu.memory_space<semaphore_mem>>)
      %dma_wait3A_90 = arith.constant 0 : i32
      %dma_wait3A_91 = tpu.memref_slice %arg5[%add3A_45, %dma_wait3A_90] : memref<2048x1024xf32, #tpu.memory_space<hbm>> -> memref<16x1024xf32, #tpu.memory_space<hbm>>
      %dma_wait3A_92 = arith.constant 0 : i32
      %dma_wait3A_93 = tpu.memref_slice %arg5[%add3A_45, %dma_wait3A_92] : memref<2048x1024xf32, #tpu.memory_space<hbm>> -> memref<16x1024xf32, #tpu.memory_space<hbm>>
      tpu.wait_dma2 semaphore(%run_scoped3A : memref<!tpu.dma_semaphore, #tpu.memory_space<semaphore_mem>>) src(%arg8 : memref<16x1024xf32, #tpu.memory_space<vmem>>) dst(%dma_wait3A_93 : memref<16x1024xf32, #tpu.memory_space<hbm>>)
      tpu.yield
    }) : () -> ()
    %mul3A_64 = arith.constant 64 : i32
    %mul3A_65 = arith.muli %add3A, %mul3A_64 : i32
    %add3A_66 = arith.constant 48 : i32
    %add3A_67 = arith.addi %mul3A_65, %add3A_66 : i32
    "tpu.region"() ({
      %run_scoped3A = tpu.sem_alloc : memref<!tpu.dma_semaphore, #tpu.memory_space<semaphore_mem>>
      %dma_start3A_86 = tpu.memref_slice %arg3[%add3A_67] : memref<2048xi32, #tpu.memory_space<hbm>> -> memref<16xi32, #tpu.memory_space<hbm>>
      %dma_start3A_87 = tpu.memref_slice %arg3[%add3A_67] : memref<2048xi32, #tpu.memory_space<hbm>> -> memref<16xi32, #tpu.memory_space<hbm>>
      tpu.enqueue_dma source(%dma_start3A_87 : memref<16xi32, #tpu.memory_space<hbm>>) target(%arg6 : memref<16xi32, #tpu.memory_space<vmem>>) target_semaphore(%run_scoped3A : memref<!tpu.dma_semaphore, #tpu.memory_space<semaphore_mem>>)
      %dma_wait3A_88 = tpu.memref_slice %arg3[%add3A_67] : memref<2048xi32, #tpu.memory_space<hbm>> -> memref<16xi32, #tpu.memory_space<hbm>>
      %dma_wait3A_89 = tpu.memref_slice %arg3[%add3A_67] : memref<2048xi32, #tpu.memory_space<hbm>> -> memref<16xi32, #tpu.memory_space<hbm>>
      tpu.wait_dma2 semaphore(%run_scoped3A : memref<!tpu.dma_semaphore, #tpu.memory_space<semaphore_mem>>) src(%dma_wait3A_89 : memref<16xi32, #tpu.memory_space<hbm>>) dst(%arg6 : memref<16xi32, #tpu.memory_space<vmem>>)
      tpu.yield
    }) : () -> ()
    "tpu.region"() ({
      %run_scoped3A = tpu.sem_alloc : memref<!tpu.dma_semaphore, #tpu.memory_space<semaphore_mem>>
      %dma_start3A_86 = tpu.memref_slice %arg4[%add3A_67] : memref<2048xi32, #tpu.memory_space<hbm>> -> memref<16xi32, #tpu.memory_space<hbm>>
      %dma_start3A_87 = tpu.memref_slice %arg4[%add3A_67] : memref<2048xi32, #tpu.memory_space<hbm>> -> memref<16xi32, #tpu.memory_space<hbm>>
      tpu.enqueue_dma source(%dma_start3A_87 : memref<16xi32, #tpu.memory_space<hbm>>) target(%arg7 : memref<16xi32, #tpu.memory_space<vmem>>) target_semaphore(%run_scoped3A : memref<!tpu.dma_semaphore, #tpu.memory_space<semaphore_mem>>)
      %dma_wait3A_88 = tpu.memref_slice %arg4[%add3A_67] : memref<2048xi32, #tpu.memory_space<hbm>> -> memref<16xi32, #tpu.memory_space<hbm>>
      %dma_wait3A_89 = tpu.memref_slice %arg4[%add3A_67] : memref<2048xi32, #tpu.memory_space<hbm>> -> memref<16xi32, #tpu.memory_space<hbm>>
      tpu.wait_dma2 semaphore(%run_scoped3A : memref<!tpu.dma_semaphore, #tpu.memory_space<semaphore_mem>>) src(%dma_wait3A_89 : memref<16xi32, #tpu.memory_space<hbm>>) dst(%arg7 : memref<16xi32, #tpu.memory_space<vmem>>)
      tpu.yield
    }) : () -> ()
    %dma_start3A_68 = arith.constant 0 : i32
    %dma_start3A_69 = arith.constant 0 : i32
    %dma_start3A_70 = tpu.memref_slice %arg2[%dma_start3A_68, %dma_start3A_69] : memref<12288x1024xf32, #tpu.memory_space<hbm>> -> memref<12288x1024xf32, #tpu.memory_space<hbm>>
    tpu.enqueue_indirect_dma source(%dma_start3A_70 : memref<12288x1024xf32, #tpu.memory_space<hbm>>) target(%arg8 : memref<16x1024xf32, #tpu.memory_space<vmem>>) offsets(%arg6 : memref<16xi32, #tpu.memory_space<vmem>>) semaphore(%arg10 : memref<!tpu.dma_semaphore, #tpu.memory_space<semaphore_mem>>)
    %dma_start3A_71 = arith.constant 0 : i32
    %dma_start3A_72 = arith.constant 0 : i32
    %dma_start3A_73 = tpu.memref_slice %arg2[%dma_start3A_71, %dma_start3A_72] : memref<12288x1024xf32, #tpu.memory_space<hbm>> -> memref<12288x1024xf32, #tpu.memory_space<hbm>>
    tpu.enqueue_indirect_dma source(%dma_start3A_73 : memref<12288x1024xf32, #tpu.memory_space<hbm>>) target(%arg9 : memref<16x1024xf32, #tpu.memory_space<vmem>>) offsets(%arg7 : memref<16xi32, #tpu.memory_space<vmem>>) semaphore(%arg11 : memref<!tpu.dma_semaphore, #tpu.memory_space<semaphore_mem>>)
    %dma_wait3A_74 = arith.constant 0 : i32
    %dma_wait3A_75 = arith.constant 0 : i32
    %dma_wait3A_76 = tpu.memref_slice %arg2[%dma_wait3A_74, %dma_wait3A_75] : memref<12288x1024xf32, #tpu.memory_space<hbm>> -> memref<12288x1024xf32, #tpu.memory_space<hbm>>
    tpu.wait_indirect_dma semaphore(%arg10 : memref<!tpu.dma_semaphore, #tpu.memory_space<semaphore_mem>>) src(%dma_wait3A_76 : memref<12288x1024xf32, #tpu.memory_space<hbm>>) dst(%arg8 : memref<16x1024xf32, #tpu.memory_space<vmem>>)
    %dma_wait3A_77 = arith.constant 0 : i32
    %dma_wait3A_78 = arith.constant 0 : i32
    %dma_wait3A_79 = tpu.memref_slice %arg2[%dma_wait3A_77, %dma_wait3A_78] : memref<12288x1024xf32, #tpu.memory_space<hbm>> -> memref<12288x1024xf32, #tpu.memory_space<hbm>>
    tpu.wait_indirect_dma semaphore(%arg11 : memref<!tpu.dma_semaphore, #tpu.memory_space<semaphore_mem>>) src(%dma_wait3A_79 : memref<12288x1024xf32, #tpu.memory_space<hbm>>) dst(%arg9 : memref<16x1024xf32, #tpu.memory_space<vmem>>)
    %scan3A_80 = arith.constant 0 : i32
    %scan3A_81 = arith.constant 0 : i32
    %scan3A_82 = arith.constant 1024 : i32
    %scan3A_83 = arith.addi %scan3A_81, %scan3A_82 : i32
    %scan3A_84 = arith.constant 4 : i32
    scf.for %scan3A_86 = %scan3A_81 to %scan3A_83 step %scan3A_84  : i32 {
      %jit3A = arith.constant 64 : i32
      %div3A = arith.divsi %scan3A_86, %jit3A : i32
      %sign3A = arith.constant 0 : i32
      %sign3A_87 = arith.cmpi sgt, %scan3A_86, %sign3A : i32
      %sign3A_88 = arith.extui %sign3A_87 : i1 to i32
      %sign3A_89 = arith.constant 0 : i32
      %sign3A_90 = arith.cmpi slt, %scan3A_86, %sign3A_89 : i32
      %sign3A_91 = arith.extui %sign3A_90 : i1 to i32
      %sign3A_92 = arith.subi %sign3A_88, %sign3A_91 : i32
      %sign3A_93 = arith.constant 0 : i32
      %sign3A_94 = arith.cmpi sgt, %jit3A, %sign3A_93 : i32
      %sign3A_95 = arith.extui %sign3A_94 : i1 to i32
      %sign3A_96 = arith.constant 0 : i32
      %sign3A_97 = arith.cmpi slt, %jit3A, %sign3A_96 : i32
      %sign3A_98 = arith.extui %sign3A_97 : i1 to i32
      %sign3A_99 = arith.subi %sign3A_95, %sign3A_98 : i32
      %ne3A = arith.cmpi ne, %sign3A_92, %sign3A_99 : i32
      %rem3A = arith.remsi %scan3A_86, %jit3A : i32
      %ne3A_100 = arith.constant 0 : i32
      %ne3A_101 = arith.cmpi ne, %rem3A, %ne3A_100 : i32
      %and3A = arith.andi %ne3A, %ne3A_101 : i1
      %sub3A = arith.constant 1 : i32
      %sub3A_102 = arith.subi %div3A, %sub3A : i32
      %select_n3A = arith.select %and3A, %sub3A_102, %div3A : i32
      %jit3A_103 = arith.constant 64 : i32
      %eq3A = arith.constant 0 : i32
      %eq3A_104 = arith.cmpi eq, %jit3A_103, %eq3A : i32
      %jit3A_105 = arith.constant 1 : i32
      %select_n3A_106 = arith.select %eq3A_104, %jit3A_105, %jit3A_103 : i32
      %rem3A_107 = arith.remsi %scan3A_86, %select_n3A_106 : i32
      %ne3A_108 = arith.constant 0 : i32
      %ne3A_109 = arith.cmpi ne, %rem3A_107, %ne3A_108 : i32
      %lt3A = arith.constant 0 : i32
      %lt3A_110 = arith.cmpi slt, %rem3A_107, %lt3A : i32
      %lt3A_111 = arith.constant 0 : i32
      %lt3A_112 = arith.cmpi slt, %select_n3A_106, %lt3A_111 : i32
      %ne3A_113 = arith.xori %lt3A_110, %lt3A_112 : i1
      %and3A_114 = arith.andi %ne3A_113, %ne3A_109 : i1
      %add3A_115 = arith.addi %rem3A_107, %select_n3A_106 : i32
      %select_n3A_116 = arith.select %and3A_114, %add3A_115, %rem3A_107 : i32
      %mul3A_117 = arith.constant 16 : i32
      %mul3A_118 = arith.muli %select_n3A_116, %mul3A_117 : i32
      %get3A = arith.index_cast %select_n3A : i32 to index
      %get3A_119 = arith.index_cast %mul3A_118 : i32 to index
      %get3A_120 = tpu.vector_load %arg8[%get3A, %get3A_119] {strides = array<i32>} : memref<16x1024xf32, #tpu.memory_space<vmem>>, vector<1x16xf32>,
      %get3A_121 = vector.shape_cast %get3A_120 : vector<1x16xf32> to vector<16xf32>
      %get3A_122 = arith.index_cast %select_n3A : i32 to index
      %get3A_123 = arith.index_cast %mul3A_118 : i32 to index
      %get3A_124 = tpu.vector_load %arg9[%get3A_122, %get3A_123] {strides = array<i32>} : memref<16x1024xf32, #tpu.memory_space<vmem>>, vector<1x16xf32>,
      %get3A_125 = vector.shape_cast %get3A_124 : vector<1x16xf32> to vector<16xf32>
      %add3A_126 = arith.addf %get3A_121, %get3A_125 : vector<16xf32>
      %swap3A = arith.index_cast %select_n3A : i32 to index
      %swap3A_127 = arith.index_cast %mul3A_118 : i32 to index
      %swap3A_128 = tpu.vector_load %arg8[%swap3A, %swap3A_127] {strides = array<i32>} : memref<16x1024xf32, #tpu.memory_space<vmem>>, vector<1x16xf32>,
      %swap3A_129 = vector.shape_cast %swap3A_128 : vector<1x16xf32> to vector<16xf32>
      %swap3A_130 = vector.shape_cast %add3A_126 : vector<16xf32> to vector<1x16xf32>
      tpu.vector_store %arg8[%swap3A, %swap3A_127], %swap3A_130 {strides = array<i32>} : memref<16x1024xf32, #tpu.memory_space<vmem>>, vector<1x16xf32>,
      %scan3A_131 = arith.constant 1 : i32
      %scan3A_132 = arith.addi %scan3A_86, %scan3A_131 : i32
      %jit3A_133 = arith.constant 64 : i32
      %div3A_134 = arith.divsi %scan3A_132, %jit3A_133 : i32
      %sign3A_135 = arith.constant 0 : i32
      %sign3A_136 = arith.cmpi sgt, %scan3A_132, %sign3A_135 : i32
      %sign3A_137 = arith.extui %sign3A_136 : i1 to i32
      %sign3A_138 = arith.constant 0 : i32
      %sign3A_139 = arith.cmpi slt, %scan3A_132, %sign3A_138 : i32
      %sign3A_140 = arith.extui %sign3A_139 : i1 to i32
      %sign3A_141 = arith.subi %sign3A_137, %sign3A_140 : i32
      %sign3A_142 = arith.constant 0 : i32
      %sign3A_143 = arith.cmpi sgt, %jit3A_133, %sign3A_142 : i32
      %sign3A_144 = arith.extui %sign3A_143 : i1 to i32
      %sign3A_145 = arith.constant 0 : i32
      %sign3A_146 = arith.cmpi slt, %jit3A_133, %sign3A_145 : i32
      %sign3A_147 = arith.extui %sign3A_146 : i1 to i32
      %sign3A_148 = arith.subi %sign3A_144, %sign3A_147 : i32
      %ne3A_149 = arith.cmpi ne, %sign3A_141, %sign3A_148 : i32
      %rem3A_150 = arith.remsi %scan3A_132, %jit3A_133 : i32
      %ne3A_151 = arith.constant 0 : i32
      %ne3A_152 = arith.cmpi ne, %rem3A_150, %ne3A_151 : i32
      %and3A_153 = arith.andi %ne3A_149, %ne3A_152 : i1
      %sub3A_154 = arith.constant 1 : i32
      %sub3A_155 = arith.subi %div3A_134, %sub3A_154 : i32
      %select_n3A_156 = arith.select %and3A_153, %sub3A_155, %div3A_134 : i32
      %jit3A_157 = arith.constant 64 : i32
      %eq3A_158 = arith.constant 0 : i32
      %eq3A_159 = arith.cmpi eq, %jit3A_157, %eq3A_158 : i32
      %jit3A_160 = arith.constant 1 : i32
      %select_n3A_161 = arith.select %eq3A_159, %jit3A_160, %jit3A_157 : i32
      %rem3A_162 = arith.remsi %scan3A_132, %select_n3A_161 : i32
      %ne3A_163 = arith.constant 0 : i32
      %ne3A_164 = arith.cmpi ne, %rem3A_162, %ne3A_163 : i32
      %lt3A_165 = arith.constant 0 : i32
      %lt3A_166 = arith.cmpi slt, %rem3A_162, %lt3A_165 : i32
      %lt3A_167 = arith.constant 0 : i32
      %lt3A_168 = arith.cmpi slt, %select_n3A_161, %lt3A_167 : i32
      %ne3A_169 = arith.xori %lt3A_166, %lt3A_168 : i1
      %and3A_170 = arith.andi %ne3A_169, %ne3A_164 : i1
      %add3A_171 = arith.addi %rem3A_162, %select_n3A_161 : i32
      %select_n3A_172 = arith.select %and3A_170, %add3A_171, %rem3A_162 : i32
      %mul3A_173 = arith.constant 16 : i32
      %mul3A_174 = arith.muli %select_n3A_172, %mul3A_173 : i32
      %get3A_175 = arith.index_cast %select_n3A_156 : i32 to index
      %get3A_176 = arith.index_cast %mul3A_174 : i32 to index
      %get3A_177 = tpu.vector_load %arg8[%get3A_175, %get3A_176] {strides = array<i32>} : memref<16x1024xf32, #tpu.memory_space<vmem>>, vector<1x16xf32>,
      %get3A_178 = vector.shape_cast %get3A_177 : vector<1x16xf32> to vector<16xf32>
      %get3A_179 = arith.index_cast %select_n3A_156 : i32 to index
      %get3A_180 = arith.index_cast %mul3A_174 : i32 to index
      %get3A_181 = tpu.vector_load %arg9[%get3A_179, %get3A_180] {strides = array<i32>} : memref<16x1024xf32, #tpu.memory_space<vmem>>, vector<1x16xf32>,
      %get3A_182 = vector.shape_cast %get3A_181 : vector<1x16xf32> to vector<16xf32>
      %add3A_183 = arith.addf %get3A_178, %get3A_182 : vector<16xf32>
      %swap3A_184 = arith.index_cast %select_n3A_156 : i32 to index
      %swap3A_185 = arith.index_cast %mul3A_174 : i32 to index
      %swap3A_186 = tpu.vector_load %arg8[%swap3A_184, %swap3A_185] {strides = array<i32>} : memref<16x1024xf32, #tpu.memory_space<vmem>>, vector<1x16xf32>,
      %swap3A_187 = vector.shape_cast %swap3A_186 : vector<1x16xf32> to vector<16xf32>
      %swap3A_188 = vector.shape_cast %add3A_183 : vector<16xf32> to vector<1x16xf32>
      tpu.vector_store %arg8[%swap3A_184, %swap3A_185], %swap3A_188 {strides = array<i32>} : memref<16x1024xf32, #tpu.memory_space<vmem>>, vector<1x16xf32>,
      %scan3A_189 = arith.constant 2 : i32
      %scan3A_190 = arith.addi %scan3A_86, %scan3A_189 : i32
      %jit3A_191 = arith.constant 64 : i32
      %div3A_192 = arith.divsi %scan3A_190, %jit3A_191 : i32
      %sign3A_193 = arith.constant 0 : i32
      %sign3A_194 = arith.cmpi sgt, %scan3A_190, %sign3A_193 : i32
      %sign3A_195 = arith.extui %sign3A_194 : i1 to i32
      %sign3A_196 = arith.constant 0 : i32
      %sign3A_197 = arith.cmpi slt, %scan3A_190, %sign3A_196 : i32
      %sign3A_198 = arith.extui %sign3A_197 : i1 to i32
      %sign3A_199 = arith.subi %sign3A_195, %sign3A_198 : i32
      %sign3A_200 = arith.constant 0 : i32
      %sign3A_201 = arith.cmpi sgt, %jit3A_191, %sign3A_200 : i32
      %sign3A_202 = arith.extui %sign3A_201 : i1 to i32
      %sign3A_203 = arith.constant 0 : i32
      %sign3A_204 = arith.cmpi slt, %jit3A_191, %sign3A_203 : i32
      %sign3A_205 = arith.extui %sign3A_204 : i1 to i32
      %sign3A_206 = arith.subi %sign3A_202, %sign3A_205 : i32
      %ne3A_207 = arith.cmpi ne, %sign3A_199, %sign3A_206 : i32
      %rem3A_208 = arith.remsi %scan3A_190, %jit3A_191 : i32
      %ne3A_209 = arith.constant 0 : i32
      %ne3A_210 = arith.cmpi ne, %rem3A_208, %ne3A_209 : i32
      %and3A_211 = arith.andi %ne3A_207, %ne3A_210 : i1
      %sub3A_212 = arith.constant 1 : i32
      %sub3A_213 = arith.subi %div3A_192, %sub3A_212 : i32
      %select_n3A_214 = arith.select %and3A_211, %sub3A_213, %div3A_192 : i32
      %jit3A_215 = arith.constant 64 : i32
      %eq3A_216 = arith.constant 0 : i32
      %eq3A_217 = arith.cmpi eq, %jit3A_215, %eq3A_216 : i32
      %jit3A_218 = arith.constant 1 : i32
      %select_n3A_219 = arith.select %eq3A_217, %jit3A_218, %jit3A_215 : i32
      %rem3A_220 = arith.remsi %scan3A_190, %select_n3A_219 : i32
      %ne3A_221 = arith.constant 0 : i32
      %ne3A_222 = arith.cmpi ne, %rem3A_220, %ne3A_221 : i32
      %lt3A_223 = arith.constant 0 : i32
      %lt3A_224 = arith.cmpi slt, %rem3A_220, %lt3A_223 : i32
      %lt3A_225 = arith.constant 0 : i32
      %lt3A_226 = arith.cmpi slt, %select_n3A_219, %lt3A_225 : i32
      %ne3A_227 = arith.xori %lt3A_224, %lt3A_226 : i1
      %and3A_228 = arith.andi %ne3A_227, %ne3A_222 : i1
      %add3A_229 = arith.addi %rem3A_220, %select_n3A_219 : i32
      %select_n3A_230 = arith.select %and3A_228, %add3A_229, %rem3A_220 : i32
      %mul3A_231 = arith.constant 16 : i32
      %mul3A_232 = arith.muli %select_n3A_230, %mul3A_231 : i32
      %get3A_233 = arith.index_cast %select_n3A_214 : i32 to index
      %get3A_234 = arith.index_cast %mul3A_232 : i32 to index
      %get3A_235 = tpu.vector_load %arg8[%get3A_233, %get3A_234] {strides = array<i32>} : memref<16x1024xf32, #tpu.memory_space<vmem>>, vector<1x16xf32>,
      %get3A_236 = vector.shape_cast %get3A_235 : vector<1x16xf32> to vector<16xf32>
      %get3A_237 = arith.index_cast %select_n3A_214 : i32 to index
      %get3A_238 = arith.index_cast %mul3A_232 : i32 to index
      %get3A_239 = tpu.vector_load %arg9[%get3A_237, %get3A_238] {strides = array<i32>} : memref<16x1024xf32, #tpu.memory_space<vmem>>, vector<1x16xf32>,
      %get3A_240 = vector.shape_cast %get3A_239 : vector<1x16xf32> to vector<16xf32>
      %add3A_241 = arith.addf %get3A_236, %get3A_240 : vector<16xf32>
      %swap3A_242 = arith.index_cast %select_n3A_214 : i32 to index
      %swap3A_243 = arith.index_cast %mul3A_232 : i32 to index
      %swap3A_244 = tpu.vector_load %arg8[%swap3A_242, %swap3A_243] {strides = array<i32>} : memref<16x1024xf32, #tpu.memory_space<vmem>>, vector<1x16xf32>,
      %swap3A_245 = vector.shape_cast %swap3A_244 : vector<1x16xf32> to vector<16xf32>
      %swap3A_246 = vector.shape_cast %add3A_241 : vector<16xf32> to vector<1x16xf32>
      tpu.vector_store %arg8[%swap3A_242, %swap3A_243], %swap3A_246 {strides = array<i32>} : memref<16x1024xf32, #tpu.memory_space<vmem>>, vector<1x16xf32>,
      %scan3A_247 = arith.constant 3 : i32
      %scan3A_248 = arith.addi %scan3A_86, %scan3A_247 : i32
      %jit3A_249 = arith.constant 64 : i32
      %div3A_250 = arith.divsi %scan3A_248, %jit3A_249 : i32
      %sign3A_251 = arith.constant 0 : i32
      %sign3A_252 = arith.cmpi sgt, %scan3A_248, %sign3A_251 : i32
      %sign3A_253 = arith.extui %sign3A_252 : i1 to i32
      %sign3A_254 = arith.constant 0 : i32
      %sign3A_255 = arith.cmpi slt, %scan3A_248, %sign3A_254 : i32
      %sign3A_256 = arith.extui %sign3A_255 : i1 to i32
      %sign3A_257 = arith.subi %sign3A_253, %sign3A_256 : i32
      %sign3A_258 = arith.constant 0 : i32
      %sign3A_259 = arith.cmpi sgt, %jit3A_249, %sign3A_258 : i32
      %sign3A_260 = arith.extui %sign3A_259 : i1 to i32
      %sign3A_261 = arith.constant 0 : i32
      %sign3A_262 = arith.cmpi slt, %jit3A_249, %sign3A_261 : i32
      %sign3A_263 = arith.extui %sign3A_262 : i1 to i32
      %sign3A_264 = arith.subi %sign3A_260, %sign3A_263 : i32
      %ne3A_265 = arith.cmpi ne, %sign3A_257, %sign3A_264 : i32
      %rem3A_266 = arith.remsi %scan3A_248, %jit3A_249 : i32
      %ne3A_267 = arith.constant 0 : i32
      %ne3A_268 = arith.cmpi ne, %rem3A_266, %ne3A_267 : i32
      %and3A_269 = arith.andi %ne3A_265, %ne3A_268 : i1
      %sub3A_270 = arith.constant 1 : i32
      %sub3A_271 = arith.subi %div3A_250, %sub3A_270 : i32
      %select_n3A_272 = arith.select %and3A_269, %sub3A_271, %div3A_250 : i32
      %jit3A_273 = arith.constant 64 : i32
      %eq3A_274 = arith.constant 0 : i32
      %eq3A_275 = arith.cmpi eq, %jit3A_273, %eq3A_274 : i32
      %jit3A_276 = arith.constant 1 : i32
      %select_n3A_277 = arith.select %eq3A_275, %jit3A_276, %jit3A_273 : i32
      %rem3A_278 = arith.remsi %scan3A_248, %select_n3A_277 : i32
      %ne3A_279 = arith.constant 0 : i32
      %ne3A_280 = arith.cmpi ne, %rem3A_278, %ne3A_279 : i32
      %lt3A_281 = arith.constant 0 : i32
      %lt3A_282 = arith.cmpi slt, %rem3A_278, %lt3A_281 : i32
      %lt3A_283 = arith.constant 0 : i32
      %lt3A_284 = arith.cmpi slt, %select_n3A_277, %lt3A_283 : i32
      %ne3A_285 = arith.xori %lt3A_282, %lt3A_284 : i1
      %and3A_286 = arith.andi %ne3A_285, %ne3A_280 : i1
      %add3A_287 = arith.addi %rem3A_278, %select_n3A_277 : i32
      %select_n3A_288 = arith.select %and3A_286, %add3A_287, %rem3A_278 : i32
      %mul3A_289 = arith.constant 16 : i32
      %mul3A_290 = arith.muli %select_n3A_288, %mul3A_289 : i32
      %get3A_291 = arith.index_cast %select_n3A_272 : i32 to index
      %get3A_292 = arith.index_cast %mul3A_290 : i32 to index
      %get3A_293 = tpu.vector_load %arg8[%get3A_291, %get3A_292] {strides = array<i32>} : memref<16x1024xf32, #tpu.memory_space<vmem>>, vector<1x16xf32>,
      %get3A_294 = vector.shape_cast %get3A_293 : vector<1x16xf32> to vector<16xf32>
      %get3A_295 = arith.index_cast %select_n3A_272 : i32 to index
      %get3A_296 = arith.index_cast %mul3A_290 : i32 to index
      %get3A_297 = tpu.vector_load %arg9[%get3A_295, %get3A_296] {strides = array<i32>} : memref<16x1024xf32, #tpu.memory_space<vmem>>, vector<1x16xf32>,
      %get3A_298 = vector.shape_cast %get3A_297 : vector<1x16xf32> to vector<16xf32>
      %add3A_299 = arith.addf %get3A_294, %get3A_298 : vector<16xf32>
      %swap3A_300 = arith.index_cast %select_n3A_272 : i32 to index
      %swap3A_301 = arith.index_cast %mul3A_290 : i32 to index
      %swap3A_302 = tpu.vector_load %arg8[%swap3A_300, %swap3A_301] {strides = array<i32>} : memref<16x1024xf32, #tpu.memory_space<vmem>>, vector<1x16xf32>,
      %swap3A_303 = vector.shape_cast %swap3A_302 : vector<1x16xf32> to vector<16xf32>
      %swap3A_304 = vector.shape_cast %add3A_299 : vector<16xf32> to vector<1x16xf32>
      tpu.vector_store %arg8[%swap3A_300, %swap3A_301], %swap3A_304 {strides = array<i32>} : memref<16x1024xf32, #tpu.memory_space<vmem>>, vector<1x16xf32>,
    }
    %scan3A_85 = arith.constant 1024 : i32
    "tpu.region"() ({
      %run_scoped3A = tpu.sem_alloc : memref<!tpu.dma_semaphore, #tpu.memory_space<semaphore_mem>>
      %dma_start3A_86 = arith.constant 0 : i32
      %dma_start3A_87 = tpu.memref_slice %arg5[%add3A_67, %dma_start3A_86] : memref<2048x1024xf32, #tpu.memory_space<hbm>> -> memref<16x1024xf32, #tpu.memory_space<hbm>>
      %dma_start3A_88 = arith.constant 0 : i32
      %dma_start3A_89 = tpu.memref_slice %arg5[%add3A_67, %dma_start3A_88] : memref<2048x1024xf32, #tpu.memory_space<hbm>> -> memref<16x1024xf32, #tpu.memory_space<hbm>>
      tpu.enqueue_dma source(%arg8 : memref<16x1024xf32, #tpu.memory_space<vmem>>) target(%dma_start3A_89 : memref<16x1024xf32, #tpu.memory_space<hbm>>) target_semaphore(%run_scoped3A : memref<!tpu.dma_semaphore, #tpu.memory_space<semaphore_mem>>)
      %dma_wait3A_90 = arith.constant 0 : i32
      %dma_wait3A_91 = tpu.memref_slice %arg5[%add3A_67, %dma_wait3A_90] : memref<2048x1024xf32, #tpu.memory_space<hbm>> -> memref<16x1024xf32, #tpu.memory_space<hbm>>
      %dma_wait3A_92 = arith.constant 0 : i32
      %dma_wait3A_93 = tpu.memref_slice %arg5[%add3A_67, %dma_wait3A_92] : memref<2048x1024xf32, #tpu.memory_space<hbm>> -> memref<16x1024xf32, #tpu.memory_space<hbm>>
      tpu.wait_dma2 semaphore(%run_scoped3A : memref<!tpu.dma_semaphore, #tpu.memory_space<semaphore_mem>>) src(%arg8 : memref<16x1024xf32, #tpu.memory_space<vmem>>) dst(%dma_wait3A_93 : memref<16x1024xf32, #tpu.memory_space<hbm>>)
      tpu.yield
    }) : () -> ()
    return
  }
}

module attributes {stable_mosaic.version = 14 : i64} {
  func.func @_router_body(%arg0: i32, %arg1: memref<256x1024xf32, #tpu.memory_space<vmem>>, %arg2: memref<1024x64xf32, #tpu.memory_space<vmem>>, %arg3: memref<256x2xi32, #tpu.memory_space<vmem>>, %arg4: memref<256x2xf32, #tpu.memory_space<vmem>>) attributes {dimension_semantics = [#tpu.dimension_semantics<arbitrary>], iteration_bounds = array<i64: 8>, scalar_prefetch = 0 : i64, scratch_operands = 0 : i64, tpu.core_type = #tpu.core_type<tc>, window_params = [{transform_indices = @transform_0, window_bounds = array<i64: 256, 1024>}, {pipeline_mode = #tpu.pipeline_mode<synchronous>, transform_indices = @transform_1, window_bounds = array<i64: 1024, 64>}, {transform_indices = @transform_2, window_bounds = array<i64: 256, 2>}, {transform_indices = @transform_3, window_bounds = array<i64: 256, 2>}]} {
    %get3A = arith.constant 0 : index
    %get3A_0 = arith.constant 0 : index
    %get3A_1 = vector.load %arg1[%get3A, %get3A_0] : memref<256x1024xf32, #tpu.memory_space<vmem>>, vector<256x1024xf32>
    %get3A_2 = arith.constant 0 : index
    %get3A_3 = arith.constant 0 : index
    %get3A_4 = vector.load %arg2[%get3A_2, %get3A_3] : memref<1024x64xf32, #tpu.memory_space<vmem>>, vector<1024x64xf32>
    %dot_general3A = arith.constant dense<0.000000e+00> : vector<256x64xf32>
    %dot_general3A_5 = tpu.matmul %get3A_1, %get3A_4, %dot_general3A {dimension_numbers = #tpu.dot_dimension_numbers<[1], [0], [0], [1], [0, 0, 1, 1], [], []>, transpose_lhs_hint = false} : vector<256x1024xf32>, vector<1024x64xf32>, vector<256x64xf32> -> vector<256x64xf32>
    %iota3A = tpu.iota {dimensions = array<i32: 1>} : vector<256x64xi32>
    %reduce_max3A = arith.constant dense<0xFF800000> : vector<256xf32>
    %reduce_max3A_6 = vector.multi_reduction <maximumf>, %dot_general3A_5, %reduce_max3A [1] : vector<256x64xf32> to vector<256xf32>
    %broadcast_in_dim3A = vector.shape_cast %reduce_max3A_6 : vector<256xf32> to vector<256x1xf32>
    %eq3A = vector.broadcast %broadcast_in_dim3A : vector<256x1xf32> to vector<256x64xf32>
    %eq3A_7 = arith.cmpf oeq, %dot_general3A_5, %eq3A : vector<256x64xf32>
    %jit3A = arith.constant 64 : i32
    %broadcast_in_dim3A_8 = vector.broadcast %jit3A : i32 to vector<256x64xi32>
    %select_n3A = arith.select %eq3A_7, %iota3A, %broadcast_in_dim3A_8 : vector<256x64xi1>, vector<256x64xi32>
    %reduce_min3A = arith.constant dense<2147483647> : vector<256xi32>
    %reduce_min3A_9 = vector.multi_reduction <minsi>, %select_n3A, %reduce_min3A [1] : vector<256x64xi32> to vector<256xi32>
    %broadcast_in_dim3A_10 = vector.shape_cast %reduce_min3A_9 : vector<256xi32> to vector<256x1xi32>
    %eq3A_11 = vector.broadcast %broadcast_in_dim3A_10 : vector<256x1xi32> to vector<256x64xi32>
    %eq3A_12 = arith.cmpi eq, %iota3A, %eq3A_11 : vector<256x64xi32>
    %jit3A_13 = arith.constant 0xFF800000 : f32
    %broadcast_in_dim3A_14 = vector.broadcast %jit3A_13 : f32 to vector<256x64xf32>
    %select_n3A_15 = arith.select %eq3A_12, %broadcast_in_dim3A_14, %dot_general3A_5 : vector<256x64xi1>, vector<256x64xf32>
    %reduce_max3A_16 = arith.constant dense<0xFF800000> : vector<256xf32>
    %reduce_max3A_17 = vector.multi_reduction <maximumf>, %select_n3A_15, %reduce_max3A_16 [1] : vector<256x64xf32> to vector<256xf32>
    %broadcast_in_dim3A_18 = vector.shape_cast %reduce_max3A_17 : vector<256xf32> to vector<256x1xf32>
    %eq3A_19 = vector.broadcast %broadcast_in_dim3A_18 : vector<256x1xf32> to vector<256x64xf32>
    %eq3A_20 = arith.cmpf oeq, %select_n3A_15, %eq3A_19 : vector<256x64xf32>
    %jit3A_21 = arith.constant 64 : i32
    %broadcast_in_dim3A_22 = vector.broadcast %jit3A_21 : i32 to vector<256x64xi32>
    %select_n3A_23 = arith.select %eq3A_20, %iota3A, %broadcast_in_dim3A_22 : vector<256x64xi1>, vector<256x64xi32>
    %reduce_min3A_24 = arith.constant dense<2147483647> : vector<256xi32>
    %reduce_min3A_25 = vector.multi_reduction <minsi>, %select_n3A_23, %reduce_min3A_24 [1] : vector<256x64xi32> to vector<256xi32>
    %broadcast_in_dim3A_26 = vector.shape_cast %reduce_min3A_25 : vector<256xi32> to vector<256x1xi32>
    %sub3A = arith.subf %broadcast_in_dim3A, %broadcast_in_dim3A_18 : vector<256x1xf32>
    %logistic3A = arith.negf %sub3A : vector<256x1xf32>
    %logistic3A_27 = math.exp %logistic3A : vector<256x1xf32>
    %logistic3A_28 = arith.constant 1.000000e+00 : f32
    %logistic3A_29 = vector.broadcast %logistic3A_28 : f32 to vector<256x1xf32>
    %logistic3A_30 = arith.addf %logistic3A_29, %logistic3A_27 : vector<256x1xf32>
    %logistic3A_31 = arith.divf %logistic3A_29, %logistic3A_30 : vector<256x1xf32>
    %concatenate3A = tpu.concatenate %broadcast_in_dim3A_10, %broadcast_in_dim3A_26 in 1 : vector<256x1xi32>, vector<256x1xi32> -> vector<256x2xi32>
    %swap3A = arith.constant 0 : index
    %swap3A_32 = arith.constant 0 : index
    %swap3A_33 = vector.load %arg3[%swap3A, %swap3A_32] : memref<256x2xi32, #tpu.memory_space<vmem>>, vector<256x2xi32>
    tpu.vector_store %arg3[%swap3A, %swap3A_32], %concatenate3A {strides = array<i32>} : memref<256x2xi32, #tpu.memory_space<vmem>>, vector<256x2xi32>,
    %sub3A_34 = arith.constant 1.000000e+00 : f32
    %sub3A_35 = vector.broadcast %sub3A_34 : f32 to vector<256x1xf32>
    %sub3A_36 = arith.subf %sub3A_35, %logistic3A_31 : vector<256x1xf32>
    %concatenate3A_37 = tpu.concatenate %logistic3A_31, %sub3A_36 in 1 : vector<256x1xf32>, vector<256x1xf32> -> vector<256x2xf32>
    %swap3A_38 = arith.constant 0 : index
    %swap3A_39 = arith.constant 0 : index
    %swap3A_40 = vector.load %arg4[%swap3A_38, %swap3A_39] : memref<256x2xf32, #tpu.memory_space<vmem>>, vector<256x2xf32>
    tpu.vector_store %arg4[%swap3A_38, %swap3A_39], %concatenate3A_37 {strides = array<i32>} : memref<256x2xf32, #tpu.memory_space<vmem>>, vector<256x2xf32>,
    return
  }
  func.func @transform_0(%arg0: i32) -> (i32, i32) {
    %c0_i32 = arith.constant 0 : i32
    %c0_i32_0 = arith.constant 0 : i32
    return %arg0, %c0_i32 : i32, i32
  }
  func.func @transform_1(%arg0: i32) -> (i32, i32) {
    %c0_i32 = arith.constant 0 : i32
    %c0_i32_0 = arith.constant 0 : i32
    %c0_i32_1 = arith.constant 0 : i32
    return %c0_i32, %c0_i32_0 : i32, i32
  }
  func.func @transform_2(%arg0: i32) -> (i32, i32) {
    %c0_i32 = arith.constant 0 : i32
    %c0_i32_0 = arith.constant 0 : i32
    return %arg0, %c0_i32 : i32, i32
  }
  func.func @transform_3(%arg0: i32) -> (i32, i32) {
    %c0_i32 = arith.constant 0 : i32
    %c0_i32_0 = arith.constant 0 : i32
    return %arg0, %c0_i32 : i32, i32
  }
}

module attributes {stable_mosaic.version = 14 : i64} {
  func.func @_ffn_body(%arg0: i32, %arg1: i32, %arg2: memref<97xi32, #tpu.memory_space<smem>>, %arg3: memref<128x1024xf32, #tpu.memory_space<vmem>>, %arg4: memref<128x1xf32, #tpu.memory_space<vmem>>, %arg5: memref<1x1024x1024xf32, #tpu.memory_space<vmem>>, %arg6: memref<1x1024x1024xf32, #tpu.memory_space<vmem>>, %arg7: memref<1x1024x1024xf32, #tpu.memory_space<vmem>>, %arg8: memref<128x1024xf32, #tpu.memory_space<vmem>>) attributes {dimension_semantics = [#tpu.dimension_semantics<arbitrary>, #tpu.dimension_semantics<arbitrary>], iteration_bounds = array<i64: 96, 1>, scalar_prefetch = 1 : i64, scratch_operands = 0 : i64, tpu.core_type = #tpu.core_type<tc>, window_params = [{transform_indices = @transform_0, window_bounds = array<i64: 128, 1024>}, {transform_indices = @transform_1, window_bounds = array<i64: 128, 1>}, {transform_indices = @transform_2, window_bounds = array<i64: 1, 1024, 1024>}, {transform_indices = @transform_3, window_bounds = array<i64: 1, 1024, 1024>}, {transform_indices = @transform_4, window_bounds = array<i64: 1, 1024, 1024>}, {transform_indices = @transform_5, window_bounds = array<i64: 128, 1024>}]} {
    %get3A = arith.constant 96 : index
    %get3A_0 = memref.load %arg2[%get3A] : memref<97xi32, #tpu.memory_space<smem>>
    %lt3A = arith.cmpi slt, %arg0, %get3A_0 : i32
    %convert_element_type3A = arith.extui %lt3A : i1 to i32
    %cond3A = arith.constant 0 : i32
    %cond3A_1 = arith.cmpi ne, %convert_element_type3A, %cond3A : i32
    scf.if %cond3A_1 {
      %get3A_2 = arith.constant 0 : index
      %get3A_3 = arith.constant 0 : index
      %get3A_4 = vector.load %arg3[%get3A_2, %get3A_3] : memref<128x1024xf32, #tpu.memory_space<vmem>>, vector<128x1024xf32>
      %get3A_5 = arith.constant 0 : index
      %get3A_6 = arith.constant 0 : index
      %get3A_7 = arith.constant 0 : index
      %get3A_8 = vector.load %arg5[%get3A_5, %get3A_6, %get3A_7] : memref<1x1024x1024xf32, #tpu.memory_space<vmem>>, vector<1x1024x1024xf32>
      %get3A_9 = vector.shape_cast %get3A_8 : vector<1x1024x1024xf32> to vector<1024x1024xf32>
      %dot_general3A = arith.constant dense<0.000000e+00> : vector<128x1024xf32>
      %dot_general3A_10 = tpu.matmul %get3A_4, %get3A_9, %dot_general3A {dimension_numbers = #tpu.dot_dimension_numbers<[1], [0], [0], [1], [0, 0, 1, 1], [], []>, transpose_lhs_hint = false} : vector<128x1024xf32>, vector<1024x1024xf32>, vector<128x1024xf32> -> vector<128x1024xf32>
      %get3A_11 = arith.constant 0 : index
      %get3A_12 = arith.constant 0 : index
      %get3A_13 = arith.constant 0 : index
      %get3A_14 = vector.load %arg6[%get3A_11, %get3A_12, %get3A_13] : memref<1x1024x1024xf32, #tpu.memory_space<vmem>>, vector<1x1024x1024xf32>
      %get3A_15 = vector.shape_cast %get3A_14 : vector<1x1024x1024xf32> to vector<1024x1024xf32>
      %dot_general3A_16 = arith.constant dense<0.000000e+00> : vector<128x1024xf32>
      %dot_general3A_17 = tpu.matmul %get3A_4, %get3A_15, %dot_general3A_16 {dimension_numbers = #tpu.dot_dimension_numbers<[1], [0], [0], [1], [0, 0, 1, 1], [], []>, transpose_lhs_hint = false} : vector<128x1024xf32>, vector<1024x1024xf32>, vector<128x1024xf32> -> vector<128x1024xf32>
      %logistic3A = arith.negf %dot_general3A_10 : vector<128x1024xf32>
      %logistic3A_18 = math.exp %logistic3A : vector<128x1024xf32>
      %logistic3A_19 = arith.constant 1.000000e+00 : f32
      %logistic3A_20 = vector.broadcast %logistic3A_19 : f32 to vector<128x1024xf32>
      %logistic3A_21 = arith.addf %logistic3A_20, %logistic3A_18 : vector<128x1024xf32>
      %logistic3A_22 = arith.divf %logistic3A_20, %logistic3A_21 : vector<128x1024xf32>
      %mul3A = arith.mulf %dot_general3A_10, %logistic3A_22 : vector<128x1024xf32>
      %mul3A_23 = arith.mulf %mul3A, %dot_general3A_17 : vector<128x1024xf32>
      %get3A_24 = arith.constant 0 : index
      %get3A_25 = arith.constant 0 : index
      %get3A_26 = arith.constant 0 : index
      %get3A_27 = vector.load %arg7[%get3A_24, %get3A_25, %get3A_26] : memref<1x1024x1024xf32, #tpu.memory_space<vmem>>, vector<1x1024x1024xf32>
      %get3A_28 = vector.shape_cast %get3A_27 : vector<1x1024x1024xf32> to vector<1024x1024xf32>
      %dot_general3A_29 = arith.constant dense<0.000000e+00> : vector<128x1024xf32>
      %dot_general3A_30 = tpu.matmul %mul3A_23, %get3A_28, %dot_general3A_29 {dimension_numbers = #tpu.dot_dimension_numbers<[1], [0], [0], [1], [0, 0, 1, 1], [], []>, transpose_lhs_hint = false} : vector<128x1024xf32>, vector<1024x1024xf32>, vector<128x1024xf32> -> vector<128x1024xf32>
      %get3A_31 = arith.constant 0 : index
      %get3A_32 = arith.constant 0 : index
      %get3A_33 = vector.load %arg4[%get3A_31, %get3A_32] : memref<128x1xf32, #tpu.memory_space<vmem>>, vector<128x1xf32>
      %mul3A_34 = vector.broadcast %get3A_33 : vector<128x1xf32> to vector<128x1024xf32>
      %mul3A_35 = arith.mulf %dot_general3A_30, %mul3A_34 : vector<128x1024xf32>
      %eq3A = arith.constant 0 : i32
      %eq3A_36 = arith.cmpi eq, %arg1, %eq3A : i32
      %convert_element_type3A_37 = arith.extui %eq3A_36 : i1 to i32
      %cond3A_38 = arith.constant 0 : i32
      %cond3A_39 = arith.cmpi ne, %convert_element_type3A_37, %cond3A_38 : i32
      scf.if %cond3A_39 {
        %swap3A = arith.constant 0 : index
        %swap3A_44 = arith.constant 0 : index
        %swap3A_45 = vector.load %arg8[%swap3A, %swap3A_44] : memref<128x1024xf32, #tpu.memory_space<vmem>>, vector<128x1024xf32>
        tpu.vector_store %arg8[%swap3A, %swap3A_44], %mul3A_35 {strides = array<i32>} : memref<128x1024xf32, #tpu.memory_space<vmem>>, vector<128x1024xf32>,
      } else {
      }
      %gt3A = arith.constant 0 : i32
      %gt3A_40 = arith.cmpi sgt, %arg1, %gt3A : i32
      %convert_element_type3A_41 = arith.extui %gt3A_40 : i1 to i32
      %cond3A_42 = arith.constant 0 : i32
      %cond3A_43 = arith.cmpi ne, %convert_element_type3A_41, %cond3A_42 : i32
      scf.if %cond3A_43 {
        %get3A_44 = arith.constant 0 : index
        %get3A_45 = arith.constant 0 : index
        %get3A_46 = vector.load %arg8[%get3A_44, %get3A_45] : memref<128x1024xf32, #tpu.memory_space<vmem>>, vector<128x1024xf32>
        %add3A = arith.addf %get3A_46, %mul3A_35 : vector<128x1024xf32>
        %swap3A = arith.constant 0 : index
        %swap3A_47 = arith.constant 0 : index
        %swap3A_48 = vector.load %arg8[%swap3A, %swap3A_47] : memref<128x1024xf32, #tpu.memory_space<vmem>>, vector<128x1024xf32>
        tpu.vector_store %arg8[%swap3A, %swap3A_47], %add3A {strides = array<i32>} : memref<128x1024xf32, #tpu.memory_space<vmem>>, vector<128x1024xf32>,
      } else {
      }
    } else {
    }
    return
  }
  func.func @transform_0(%arg0: i32, %arg1: i32, %arg2: memref<97xi32, #tpu.memory_space<smem>>) -> (i32, i32) {
    %get3A = arith.constant 96 : index
    %get3A_0 = memref.load %arg2[%get3A] : memref<97xi32, #tpu.memory_space<smem>>
    %sub3A = arith.constant 1 : i32
    %sub3A_1 = arith.subi %get3A_0, %sub3A : i32
    %min3A = arith.minsi %arg0, %sub3A_1 : i32
    %c0_i32 = arith.constant 0 : i32
    %c0_i32_2 = arith.constant 0 : i32
    return %min3A, %c0_i32 : i32, i32
  }
  func.func @transform_1(%arg0: i32, %arg1: i32, %arg2: memref<97xi32, #tpu.memory_space<smem>>) -> (i32, i32) {
    %get3A = arith.constant 96 : index
    %get3A_0 = memref.load %arg2[%get3A] : memref<97xi32, #tpu.memory_space<smem>>
    %sub3A = arith.constant 1 : i32
    %sub3A_1 = arith.subi %get3A_0, %sub3A : i32
    %min3A = arith.minsi %arg0, %sub3A_1 : i32
    %c0_i32 = arith.constant 0 : i32
    %c0_i32_2 = arith.constant 0 : i32
    return %min3A, %c0_i32 : i32, i32
  }
  func.func @transform_2(%arg0: i32, %arg1: i32, %arg2: memref<97xi32, #tpu.memory_space<smem>>) -> (i32, i32, i32) {
    %get3A = arith.constant 96 : index
    %get3A_0 = memref.load %arg2[%get3A] : memref<97xi32, #tpu.memory_space<smem>>
    %sub3A = arith.constant 1 : i32
    %sub3A_1 = arith.subi %get3A_0, %sub3A : i32
    %min3A = arith.minsi %arg0, %sub3A_1 : i32
    %get3A_2 = arith.index_cast %min3A : i32 to index
    %get3A_3 = memref.load %arg2[%get3A_2] : memref<97xi32, #tpu.memory_space<smem>>
    %c0_i32 = arith.constant 0 : i32
    %c0_i32_4 = arith.constant 0 : i32
    return %get3A_3, %c0_i32, %arg1 : i32, i32, i32
  }
  func.func @transform_3(%arg0: i32, %arg1: i32, %arg2: memref<97xi32, #tpu.memory_space<smem>>) -> (i32, i32, i32) {
    %get3A = arith.constant 96 : index
    %get3A_0 = memref.load %arg2[%get3A] : memref<97xi32, #tpu.memory_space<smem>>
    %sub3A = arith.constant 1 : i32
    %sub3A_1 = arith.subi %get3A_0, %sub3A : i32
    %min3A = arith.minsi %arg0, %sub3A_1 : i32
    %get3A_2 = arith.index_cast %min3A : i32 to index
    %get3A_3 = memref.load %arg2[%get3A_2] : memref<97xi32, #tpu.memory_space<smem>>
    %c0_i32 = arith.constant 0 : i32
    %c0_i32_4 = arith.constant 0 : i32
    return %get3A_3, %c0_i32, %arg1 : i32, i32, i32
  }
  func.func @transform_4(%arg0: i32, %arg1: i32, %arg2: memref<97xi32, #tpu.memory_space<smem>>) -> (i32, i32, i32) {
    %get3A = arith.constant 96 : index
    %get3A_0 = memref.load %arg2[%get3A] : memref<97xi32, #tpu.memory_space<smem>>
    %sub3A = arith.constant 1 : i32
    %sub3A_1 = arith.subi %get3A_0, %sub3A : i32
    %min3A = arith.minsi %arg0, %sub3A_1 : i32
    %get3A_2 = arith.index_cast %min3A : i32 to index
    %get3A_3 = memref.load %arg2[%get3A_2] : memref<97xi32, #tpu.memory_space<smem>>
    %c0_i32 = arith.constant 0 : i32
    %c0_i32_4 = arith.constant 0 : i32
    return %get3A_3, %arg1, %c0_i32 : i32, i32, i32
  }
  func.func @transform_5(%arg0: i32, %arg1: i32, %arg2: memref<97xi32, #tpu.memory_space<smem>>) -> (i32, i32) {
    %get3A = arith.constant 96 : index
    %get3A_0 = memref.load %arg2[%get3A] : memref<97xi32, #tpu.memory_space<smem>>
    %sub3A = arith.constant 1 : i32
    %sub3A_1 = arith.subi %get3A_0, %sub3A : i32
    %min3A = arith.minsi %arg0, %sub3A_1 : i32
    %c0_i32 = arith.constant 0 : i32
    %c0_i32_2 = arith.constant 0 : i32
    return %min3A, %c0_i32 : i32, i32
  }
}

</mosaic_0001>

<sc_bundles>
// kernel: kernel.6.cloned.1.call-start
scs
__scs_entry_jumppad:
0x0: {  	(pc) =	sbr.rel $0x88, $3  }
0x1: {  	(tag) =	ssettag $0x0;
	lr =	simm.s32 $0x1  }
0x2: {  	[smem:$0x3F9C] =	sst lr;
	_ =	strace $0xD0000000  }
0x3: {  	_ = 	snop  }
0x4: {  	_ = 	snop  }
0x5: {  	_ = 	snop  }
0x6: {  	_ = 	snop  }
0x7: {  	_ = 	snop  }
__scs_overlays_trampoline_lowered:
0x8: {  	[smem:$0x3FAB] =	sst s0  }
0x9: {  	[smem:$0x3FAC] =	sst s1  }
0xa: {  	[smem:$0x3FAD] =	sst s2  }
0xb: {  	[smem:$0x3FAE] =	sst s3  }
0xc: {  	[smem:$0x3FAF] =	sst s4  }
0xd: {  	[smem:$0x3FB0] =	sst s5  }
0xe: {  	[smem:$0x3FB1] =	sst s6  }
0xf: {  	[smem:$0x3FB2] =	sst s7  }
0x10: {  	[smem:$0x3FB3] =	sst s8  }
0x11: {  	[smem:$0x3FB4] =	sst s9;
	s0 =	simm.s32 @!p0 $0x0  }
0x12: {  	s1 =	sld [smem:$0x3F9A];
	s0 =	simm.s32 @p0 $0x1  }
0x13: {  	[smem:$0x3FB5] =	sst s0;
	s0 =	simm.s32 @!p1 $0x0  }
0x14: {  	s2 =	sld [smem:$0x3F99];
	s0 =	simm.s32 @p1 $0x1  }
0x15: {  	[smem:$0x3FB6] =	sst s0;
	s0 =	simm.s32 @!p2 $0x0  }
0x16: {  	s3 =	sld [smem:$0x3FDB];
	s0 =	simm.s32 @p2 $0x1  }
0x17: {  	s4 =	simm.s32 $0x1BF5;
	[smem:$0x3FB8] =	sst s0  }
0x18: {  	s0 =	sld [smem:$0x3F9B];
	_ =	swait.ge [sflag:s4], $0x0  }
0x19: {  	s7 =	sld [smem:$0x3F9C]  }
0x1a: {  	s8 =	sadd.s32 $0xFFFFE003, lr  }
0x1b: {  	s9 =	sadd.s32 $0xFFFFFEF7, lr;
	s5 =	simm.s32 $0xFFFFFFFF;
	p2 =	slt.u32 s8, $0xFFFFF086  }
0x1c: {  	p1 =	slt.u32 s9, $0xF7A;
	s5 =	simm.s32 @!p2 $0x0  }
0x1d: {  	s5 =	simm.s32 @p1 $0x1;
	p0 =	seq.s32 s7, s2  }
0x1e: {  	s7 =	smul.u32 @!p0 $0xF7A, s2;
	p2 =	seq.s32 @!p0 s5, $0x0  }
0x1f: {  	s9 =	smul.u32 $0xF7A, s1;
	s8 =	simm.s32 @!p0 $0x1BF5;
	p2 =	por !p2, p0  }
0x20: {  	[sflag:s8] =	ssyncset.s32 @!p0 $0xFFFFF086;
	s6 =	sadd.s32 @!p0 s3, s7;
	s7 =	simm.s32 @!p0 $0x108  }
0x21: {  	s3 =	sadd.s32 s3, s9;
	s6 =	sadd.s32 @!p0 $0x88, s6;
	s7 =	simm.s32 @p2 $0x1082  }
0x22: {  	[simem:s7], [sflag:s8] =	dma.local @!p0 [hbm:s6], $0xF7A  }
0x23: {  	s9 =	sor.u32 $0xD0000000, s2;
	s6 =	simm.s32 $0x108;
	_ =	swait.ge @!p0 [sflag:s8], $0x0  }
0x24: {  	s3 =	sadd.s32 $0x88, s3;
	s6 =	simm.s32 @!p1 $0x1082;
	[sflag:s4] =	ssyncset.s32 $0xFFFFF086  }
0x25: {  	[simem:s6], [sflag:s4] =	dma.local [hbm:s3], $0xF7A  }
0x26: {  	[smem:$0x3F9C] =	sst s1;
	(tag) =	ssettag s2;
	_ =	strace s9  }
0x27: {  	s1 =	sld [smem:$0x3FAC]  }
0x28: {  	s2 =	sld [smem:$0x3FAD]  }
0x29: {  	s4 =	sld [smem:$0x3FAF]  }
0x2a: {  	p0 =	seq.s32 s5, $0x0;
	s5 =	sld [smem:$0x3FB0]  }
0x2b: {  	s6 =	sld [smem:$0x3FB1]  }
0x2c: {  	s7 =	sld [smem:$0x3FB2]  }
0x2d: {  	s3 =	simm.s32 $0x108;
	s8 =	sld [smem:$0x3FB3]  }
0x2e: {  	s3 =	simm.s32 @!p0 $0x1082;
	s9 =	sld [smem:$0x3FB4]  }
0x2f: {  	lr =	sadd.s32 s0, s3;
	s0 =	sld [smem:$0x3FAB]  }
0x30: {  	s3 =	sld [smem:$0x3FAE]  }
0x31: {  	[smem:$0x3FB7] =	sst s10  }
0x32: {  	s10 =	sld [smem:$0x3FB5];
	_ =	sdelay $0x3  }
0x33: {  	p0 =	seq.s32 s10, $0x1;
	s10 =	sld [smem:$0x3FB7];
	_ =	sdelay $0x3  }
0x34: {  	[smem:$0x3FB7] =	sst s10  }
0x35: {  	s10 =	sld [smem:$0x3FB6];
	_ =	sdelay $0x3  }
0x36: {  	p1 =	seq.s32 s10, $0x1;
	s10 =	sld [smem:$0x3FB7];
	_ =	sdelay $0x3  }
0x37: {  	[smem:$0x3FB7] =	sst s10  }
0x38: {  	s10 =	sld [smem:$0x3FB8]  }
0x39: {  	_ = 	snop;
	(pc) =	sbr.ind lr, $3  }
0x3a: {  	_ = 	snop  }
0x3b: {  	_ = 	snop  }
0x3c: {  	p2 =	seq.s32 s10, $0x1;
	s10 =	sld [smem:$0x3FB7]  }
0x3d: {  	_ =	shalt  }
0x3e: {  	_ =	shalt  }
0x3f: {  	_ =	shalt  }
0x40: {  	_ =	shalt  }
0x41: {  	_ =	shalt  }
0x42: {  	_ =	shalt  }
0x43: {  	_ =	shalt  }
0x44: {  	_ =	shalt  }
0x45: {  	_ =	shalt  }
0x46: {  	_ =	shalt  }
0x47: {  	_ =	shalt  }
0x48: {  	_ =	shalt  }
0x49: {  	_ =	shalt  }
0x4a: {  	_ =	shalt  }
0x4b: {  	_ =	shalt  }
0x4c: {  	_ =	shalt  }
0x4d: {  	_ =	shalt  }
0x4e: {  	_ =	shalt  }
0x4f: {  	_ =	shalt  }
0x50: {  	_ =	shalt  }
0x51: {  	_ =	shalt  }
0x52: {  	_ =	shalt  }
0x53: {  	_ =	shalt  }
0x54: {  	_ =	shalt  }
0x55: {  	_ =	shalt  }
0x56: {  	_ =	shalt  }
0x57: {  	_ =	shalt  }
0x58: {  	_ =	shalt  }
0x59: {  	_ =	shalt  }
0x5a: {  	_ =	shalt  }
0x5b: {  	_ =	shalt  }
0x5c: {  	_ =	shalt  }
0x5d: {  	_ =	shalt  }
0x5e: {  	_ =	shalt  }
0x5f: {  	_ =	shalt  }
0x60: {  	_ =	shalt  }
0x61: {  	_ =	shalt  }
0x62: {  	_ =	shalt  }
0x63: {  	_ =	shalt  }
0x64: {  	_ =	shalt  }
0x65: {  	_ =	shalt  }
0x66: {  	_ =	shalt  }
0x67: {  	_ =	shalt  }
0x68: {  	_ =	shalt  }
0x69: {  	_ =	shalt  }
0x6a: {  	_ =	shalt  }
0x6b: {  	_ =	shalt  }
0x6c: {  	_ =	shalt  }
0x6d: {  	_ =	shalt  }
0x6e: {  	_ =	shalt  }
0x6f: {  	_ =	shalt  }
0x70: {  	_ =	shalt  }
0x71: {  	_ =	shalt  }
0x72: {  	_ =	shalt  }
0x73: {  	_ =	shalt  }
0x74: {  	_ =	shalt  }
0x75: {  	_ =	shalt  }
0x76: {  	_ =	shalt  }
0x77: {  	_ =	shalt  }
0x78: {  	_ =	shalt  }
0x79: {  	_ =	shalt  }
0x7a: {  	_ =	shalt  }
0x7b: {  	_ =	shalt  }
0x7c: {  	_ =	shalt  }
0x7d: {  	_ =	shalt  }
0x7e: {  	_ =	shalt  }
0x7f: {  	_ =	shalt  }
0x80: {  	_ =	shalt  }
0x81: {  	_ =	shalt  }
0x82: {  	_ =	shalt  }
0x83: {  	_ =	shalt  }
0x84: {  	_ =	shalt  }
0x85: {  	_ =	shalt  }
0x86: {  	_ =	shalt  }
0x87: {  	_ =	shalt  }
.Lfunc_end0:
.L_simem_size_0:
called_computation_lowered:
.L_overlay_start_0:
0x88: {  	s2 =	sld [smem:$0x3FD9]  }
0x89: {  	s3 =	sld [smem:$0x3FFE];
	_ =	sdelay $0x1  }
0x8a: {  	s1 =	srdreg.scid  }
0x8b: {  	s0 =	sand.u32 $0x1, s1  }
0x8c: {  	s17 =	sshll.u32 s0, $0xA;
	s2 =	sadd.s32 s3, s2  }
0x8d: {  	s2 =	sadd.s32 s2, s17  }
0x8e: {  	[smem:$0x3FC3] =	sst s2  }
0x8f: {  	_ = 	snop  }
0x90: {  	s2 =	sld [smem:$0x3FC9]  }
0x91: {  	s18 =	sld [smem:$0x3FD0];
	(tm) =	ssettm $0x1  }
0x92: {  	s4 =	sld [smem:$0x3FFB];
	_ =	sdelay $0x3  }
0x93: {  	_ =	strace s4  }
0x94: {  	s4 =	sld [smem:$0x3FFC];
	_ =	sdelay $0x3  }
0x95: {  	_ =	strace s4  }
0x96: {  	s4 =	sld [smem:$0x3FFD];
	_ =	sdelay $0x3  }
0x97: {  	_ =	strace s4  }
0x98: {  	_ =	strace $0x8FFFFFFF  }
0x99: {  	s19 =	sld [smem:$0x3FDB];
	_ =	sdelay $0x1  }
0x9a: {  	s5 =	simm.s32 $_scs_section_size  }
0x9b: {  	s6 =	simm.s32 $_size__tile_overlayer_lowered;
	s7 =	simm.s32 $_tile_overlayer_lowered  }
0x9c: {  	s22 =	simm.s32 $0x1BFF;
	s21 =	sshll.u32 s7, $0x1;
	s4 =	sadd.s32 s5, s19  }
0x9d: {  	s8 =	simm.s32 $0x0;
	s20 =	sshll.u32 s6, $0x1;
	s6 =	sadd.s32 s21, s4  }
0x9e: {  	[timem:s8], [sflag:s22] =	dma.local [hbm:s6], s20  }
0x9f: {  	_ =	swait.ge [sflag:s22], s20  }
0xa0: {  	s5 =	ssub.s32 $0x0, s20;
	[sflag:s22] =	ssyncset.done $0x0  }
0xa1: {  	[sflag:s22] =	ssyncadd.s32 s5;
	_ =	sdelay $0x1  }
0xa2: {  	s23 =	simm.s32 $0x1B8B  }
0xa3: {  	_ =	swait.ge [sflag:s23], $0x1  }
0xa4: {  	[sflag:s23] =	ssyncset.done $0x0  }
0xa5: {  	s25 =	simm.s32 $0x1B8E;
	s24 =	sld [smem:$0x3FFE];
	[sflag:s23] =	ssyncadd.s32 $0xFFFFFFFF  }
0xa6: {  	s26 =	simm.s32 $execute0_lowered;
	[smem:$0x3FD2] =	sst s25  }
0xa7: {  	s6 =	sshll.u32 s26, $0x1;
	_ =	strace $0x80000046;
	[dreg:$0x1] =	wrdreg $0xFFFFFFFF  }
0xa8: {  	s28 =	simm.s32 $_size_execute0_lowered;
	s4 =	sadd.s32 s4, s6;
	[dreg:$0x0] =	wrdreg $0x0  }
0xa9: {  	s6 =	sshll.u32 s28, $0x1;
	[dreg:$0x2] =	wrdreg s4  }
0xaa: {  	[dreg:$0x3] =	wrdreg s6  }
0xab: {  	[dreg:$0x4] =	wrdreg $0xC0  }
0xac: {  	_ =	task [dreg:s8], $0x5FFFF  }
0xad: {  	[dreg:$0x1] =	wrdreg $0xFFFFFFFF  }
0xae: {  	[dreg:$0x0] =	wrdreg $0x60  }
0xaf: {  	[dreg:$0x2] =	wrdreg s2  }
0xb0: {  	[dreg:$0x3] =	wrdreg s18  }
0xb1: {  	[dreg:$0x4] =	wrdreg s24  }
0xb2: {  	[dreg:$0x5] =	wrdreg $0x9  }
0xb3: {  	_ =	task.clear_ibuf [dreg:s8], $0x6FFFF;
	_ =	strace $0x90000046  }
0xb4: {  	s29 =	simm.s32 $0x9;
	_ =	strace $0x80000048  }
0xb5: {  	_ =	swait.ge [sflag:s29], $0x1  }
0xb6: {  	[sflag:s29] =	ssyncadd.s32 $0xFFFFFFFF  }
0xb7: {  	_ =	strace $0x90000048  }
0xb8: {  	_ =	sfence  }
0xb9: {  	s30 =	sld [smem:$0x0];
	_ =	sdelay $0x2  }
0xba: {  	s31 =	sshll.u32 s1, $0xD;
	s1 =	sshrl.u32 s1, $0x2  }
0xbb: {  	s3 =	sand.u32 $0x4000, s31;
	s1 =	sadd.s32 s1, s30  }
0xbc: {  	s0 =	sor.u32 s3, s0;
	s1 =	sshll.u32 s1, $0x11  }
0xbd: {  	s0 =	sor.u32 s1, s0  }
0xbe: {  	s0 =	sadd.s32 $0x8F2B, s0  }
0xbf: {  	[sflag:s0] =	ssyncadd.remote.s32 $0x1  }
0xc0: {  	_ =	sfence.sel $0xFFFF  }
0xc1: {  	[dreg:$0x0] =	wrdreg $0xFFFFFFFF;
	(pc) =	sbr.abs _section_cstart, $3  }
0xc2: {  	[dreg:$0x1] =	wrdreg $0xFFFFFFFF  }
0xc3: {  	_ =	task.clear_ibuf [dreg:s8], $0x2FFFF;
	_ =	strace $0x9FFFFFFF  }
0xc4: {  	(tm) =	ssettm $0x7FFFFFFF  }
0xc5: {  	_ =	shalt  }
tec
execute0_lowered:
.L_overlay_start_1:
0x0: {  	(tag) =	ssettag $0x1  }
0x1: {  	s0 =	rddreg [dreg:$0x0]  }
0x2: {  	s1 =	rddreg [dreg:$0x1]  }
0x3: {  	s2 =	rddreg [dreg:$0x2]  }
0x4: {  	s4 =	srdreg.scid;
	s5 =	stileid.u32  }
0x5: {  	s3 =	simm.s32 $0x0;
	s18 =	simm.s32 $0x100;
	s21 =	simm.s32 $0x1100  }
0x6: {  	s22 =	simm.s32 $0x1900;
	s23 =	simm.s32 $0x2100;
	s28 =	simm.s32 $0x4100  }
0x7: {  	s29 =	simm.s32 $0x4900;
	s30 =	simm.s32 $0x5100;
	s31 =	simm.s32 $0x5900  }
0x8: {  	s10 =	simm.s32 $0x7100;
	s11 =	simm.s32 $0x7900;
	s12 =	simm.s32 $0x8100  }
0x9: {  	s13 =	simm.s32 $0x8900;
	s14 =	simm.s32 $0x9100;
	s15 =	simm.s32 $0x9900  }
0xa: {  	s16 =	simm.s32 $0xA100;
	s17 =	simm.s32 $0xA900;
	s8 =	simm.s32 $0xB100  }
0xb: {  	s19 =	simm.s32 $0xB900;
	s4 =	sand.u32 $0x1, s4;
	s5 =	sshll.u32 s5, $0x1  }
0xc: {  	s9 =	simm.s32 $0xC100;
	[smem:$0x7FF] =	sst s3;
	s5 =	sor.u32 s4, s5  }
0xd: {  	_ =	strace $0x80000047;
	s4 =	ssub.s32 $0x2, s4;
	s6 =	sshll.u32 s5, $0xD  }
0xe: {  	s5 =	sshll.u32 s5, $0x5;
	s24 =	sshrl.u32 s4, $0x1;
	s0 =	sadd.s32 s0, s6  }
0xf: {  	s25 =	sadd.s32 s1, s5;
	s26 =	ssub.s32 s4, s24;
	s4 =	sadd.s32 $0x100, s2  }
0x10: {  	v2 =	vlaneseq.u32;
	s5 =	sadd.s32 $0x200, s2;
	s6 =	sadd.s32 $0x300, s2;
	[dreg:$0x4] =	wrdreg s0  }
0x11: {  	vm0 =	vmmov $0xffff;
	v1 =	vshrl.u32 v2, $0x3;
	s24 =	simm.s32 $0x2900;
	s1 =	simm.s32 $0x6900;
	[dreg:$0x5] =	wrdreg s25  }
0x12: {  	v0 =	vand.u32 $0x7, v2;
	v2 =	vor.u32 $0x8, v2;
	v1 =	vmul.u32 $0x8, v1;
	s7 =	smax.u32 s26, $0x1;
	s25 =	simm.s32 $0x3100;
	s26 =	simm.s32 $0x3900  }
.LBB2_1:
0x13: {  	s20 =	rddreg [dreg:$0x4];
	s0 =	simm.s32 $0x3  }
0x14: {  	[tilespmem:s18], [sflag:$0x3] =	stream.linear.gather [hbm4b:s20+s3], $0x10000, $0x38;
	[tilespmem:$0x10100] =	vst v63  }
0x15: {  	_ =	swait.ge [sflag:s0], $0x10000  }
0x16: {  	[sflag:s0] =	ssyncset.done $0x0  }
0x17: {  	s20 =	rddreg [dreg:$0x5];
	[sflag:s0] =	ssyncadd.s32 $0xFFFF0000  }
0x18: {  	[tilespmem:s3], [sflag:$0x3] =	stream.linear.gather [hbm4b:s20+s3], $0x100, $0x38;
	[tilespmem:$0x10100] =	vst v63  }
0x19: {  	_ =	swait.ge [sflag:s0], $0x100  }
0x1a: {  	[sflag:s0] =	ssyncset.done $0x0  }
0x1b: {  	[sflag:s0] =	ssyncadd.s32 $0xFFFFFF00  }
0x1c: {  	v3 =	vld [tilespmem:$0x0];
	_ =	sdelay $0x4  }
0x1d: {  	v4 =	vshll.u32 v3, $0x3  }
0x1e: {  	v3 =	vand.u32 $0x7, v3;
	v4 =	vand.u32 $0xFFFFFFC0, v4  }
0x1f: {  	v3 =	vor.u32 v3, v4  }
0x20: {  	v4 =	vperm.xlane v3, v0;
	_ =	sdelay $0x1  }
0x21: {  	v4 =	vadd.s32 v1, v4;
	_ =	sdelay $0x4  }
0x22: {  	[hbm4b:s2+s3] =	stream.indirect_vreg.scatter [tilespmem:s18], [sflag:$0x1], $0x80, v4, vm0, $0xb8;
	[tilespmem:$0x10100] =	vst v63  }
0x23: {  	s20 =	simm.s32 $0x900;
	v3 =	vperm.xlane v3, v2  }
0x24: {  	[hbm4b:s4+s3] =	stream.indirect_vreg.scatter [tilespmem:s20], [sflag:$0x1], $0x80, v4, vm0, $0xb8;
	[tilespmem:$0x10100] =	vst v63  }
0x25: {  	v3 =	vadd.s32 v1, v3  }
0x26: {  	[hbm4b:s5+s3] =	stream.indirect_vreg.scatter [tilespmem:s21], [sflag:$0x1], $0x80, v4, vm0, $0xb8;
	[tilespmem:$0x10100] =	vst v63  }
0x27: {  	_ = 	snop  }
0x28: {  	[hbm4b:s6+s3] =	stream.indirect_vreg.scatter [tilespmem:s22], [sflag:$0x1], $0x80, v4, vm0, $0xb8;
	[tilespmem:$0x10100] =	vst v63  }
0x29: {  	_ = 	snop  }
0x2a: {  	[hbm4b:s2+s3] =	stream.indirect_vreg.scatter [tilespmem:s23], [sflag:$0x1], $0x80, v3, vm0, $0xb8;
	[tilespmem:$0x10100] =	vst v63  }
0x2b: {  	_ = 	snop  }
0x2c: {  	[hbm4b:s4+s3] =	stream.indirect_vreg.scatter [tilespmem:s24], [sflag:$0x1], $0x80, v3, vm0, $0xb8;
	[tilespmem:$0x10100] =	vst v63  }
0x2d: {  	_ = 	snop  }
0x2e: {  	[hbm4b:s5+s3] =	stream.indirect_vreg.scatter [tilespmem:s25], [sflag:$0x1], $0x80, v3, vm0, $0xb8;
	[tilespmem:$0x10100] =	vst v63  }
0x2f: {  	_ = 	snop  }
0x30: {  	[hbm4b:s6+s3] =	stream.indirect_vreg.scatter [tilespmem:s26], [sflag:$0x1], $0x80, v3, vm0, $0xb8;
	[tilespmem:$0x10100] =	vst v63  }
0x31: {  	v3 =	vld [tilespmem:$0x10];
	_ =	sdelay $0x4  }
0x32: {  	v57 =	vshll.u32 v3, $0x3  }
0x33: {  	v3 =	vand.u32 $0x7, v3;
	v4 =	vand.u32 $0xFFFFFFC0, v57  }
0x34: {  	v3 =	vor.u32 v3, v4  }
0x35: {  	v4 =	vperm.xlane v3, v0;
	_ =	sdelay $0x1  }
0x36: {  	v4 =	vadd.s32 v1, v4;
	_ =	sdelay $0x4  }
0x37: {  	[hbm4b:s2+s3] =	stream.indirect_vreg.scatter [tilespmem:s28], [sflag:$0x1], $0x80, v4, vm0, $0xb8;
	[tilespmem:$0x10100] =	vst v63  }
0x38: {  	v3 =	vperm.xlane v3, v2  }
0x39: {  	[hbm4b:s4+s3] =	stream.indirect_vreg.scatter [tilespmem:s29], [sflag:$0x1], $0x80, v4, vm0, $0xb8;
	[tilespmem:$0x10100] =	vst v63  }
0x3a: {  	v3 =	vadd.s32 v1, v3  }
0x3b: {  	[hbm4b:s5+s3] =	stream.indirect_vreg.scatter [tilespmem:s30], [sflag:$0x1], $0x80, v4, vm0, $0xb8;
	[tilespmem:$0x10100] =	vst v63  }
0x3c: {  	_ = 	snop  }
0x3d: {  	[hbm4b:s6+s3] =	stream.indirect_vreg.scatter [tilespmem:s31], [sflag:$0x1], $0x80, v4, vm0, $0xb8;
	[tilespmem:$0x10100] =	vst v63  }
0x3e: {  	s0 =	simm.s32 $0x6100  }
0x3f: {  	[hbm4b:s2+s3] =	stream.indirect_vreg.scatter [tilespmem:s0], [sflag:$0x1], $0x80, v3, vm0, $0xb8;
	[tilespmem:$0x10100] =	vst v63  }
0x40: {  	_ = 	snop  }
0x41: {  	[hbm4b:s4+s3] =	stream.indirect_vreg.scatter [tilespmem:s1], [sflag:$0x1], $0x80, v3, vm0, $0xb8;
	[tilespmem:$0x10100] =	vst v63  }
0x42: {  	_ = 	snop  }
0x43: {  	[hbm4b:s5+s3] =	stream.indirect_vreg.scatter [tilespmem:s10], [sflag:$0x1], $0x80, v3, vm0, $0xb8;
	[tilespmem:$0x10100] =	vst v63  }
0x44: {  	_ = 	snop  }
0x45: {  	[hbm4b:s6+s3] =	stream.indirect_vreg.scatter [tilespmem:s11], [sflag:$0x1], $0x80, v3, vm0, $0xb8;
	[tilespmem:$0x10100] =	vst v63  }
0x46: {  	v3 =	vld [tilespmem:$0x20];
	_ =	sdelay $0x4  }
0x47: {  	v58 =	vshll.u32 v3, $0x3  }
0x48: {  	v3 =	vand.u32 $0x7, v3;
	v4 =	vand.u32 $0xFFFFFFC0, v58  }
0x49: {  	v3 =	vor.u32 v3, v4  }
0x4a: {  	v4 =	vperm.xlane v3, v0;
	_ =	sdelay $0x1  }
0x4b: {  	v4 =	vadd.s32 v1, v4;
	_ =	sdelay $0x4  }
0x4c: {  	[hbm4b:s2+s3] =	stream.indirect_vreg.scatter [tilespmem:s12], [sflag:$0x1], $0x80, v4, vm0, $0xb8;
	[tilespmem:$0x10100] =	vst v63  }
0x4d: {  	v3 =	vperm.xlane v3, v2  }
0x4e: {  	[hbm4b:s4+s3] =	stream.indirect_vreg.scatter [tilespmem:s13], [sflag:$0x1], $0x80, v4, vm0, $0xb8;
	[tilespmem:$0x10100] =	vst v63  }
0x4f: {  	v3 =	vadd.s32 v1, v3  }
0x50: {  	[hbm4b:s5+s3] =	stream.indirect_vreg.scatter [tilespmem:s14], [sflag:$0x1], $0x80, v4, vm0, $0xb8;
	[tilespmem:$0x10100] =	vst v63  }
0x51: {  	_ = 	snop  }
0x52: {  	[hbm4b:s6+s3] =	stream.indirect_vreg.scatter [tilespmem:s15], [sflag:$0x1], $0x80, v4, vm0, $0xb8;
	[tilespmem:$0x10100] =	vst v63  }
0x53: {  	_ = 	snop  }
0x54: {  	[hbm4b:s2+s3] =	stream.indirect_vreg.scatter [tilespmem:s16], [sflag:$0x1], $0x80, v3, vm0, $0xb8;
	[tilespmem:$0x10100] =	vst v63  }
0x55: {  	_ = 	snop  }
0x56: {  	[hbm4b:s4+s3] =	stream.indirect_vreg.scatter [tilespmem:s17], [sflag:$0x1], $0x80, v3, vm0, $0xb8;
	[tilespmem:$0x10100] =	vst v63  }
0x57: {  	_ = 	snop  }
0x58: {  	[hbm4b:s5+s3] =	stream.indirect_vreg.scatter [tilespmem:s8], [sflag:$0x1], $0x80, v3, vm0, $0xb8;
	[tilespmem:$0x10100] =	vst v63  }
0x59: {  	_ = 	snop  }
0x5a: {  	[hbm4b:s6+s3] =	stream.indirect_vreg.scatter [tilespmem:s19], [sflag:$0x1], $0x80, v3, vm0, $0xb8;
	[tilespmem:$0x10100] =	vst v63  }
0x5b: {  	v3 =	vld [tilespmem:$0x30];
	_ =	sdelay $0x4  }
0x5c: {  	v59 =	vshll.u32 v3, $0x3  }
0x5d: {  	v3 =	vand.u32 $0x7, v3;
	v4 =	vand.u32 $0xFFFFFFC0, v59  }
0x5e: {  	v3 =	vor.u32 v3, v4  }
0x5f: {  	v4 =	vperm.xlane v3, v0;
	_ =	sdelay $0x1  }
0x60: {  	v4 =	vadd.s32 v1, v4;
	_ =	sdelay $0x4  }
0x61: {  	[hbm4b:s2+s3] =	stream.indirect_vreg.scatter [tilespmem:s9], [sflag:$0x1], $0x80, v4, vm0, $0xb8;
	[tilespmem:$0x10100] =	vst v63  }
0x62: {  	s0 =	simm.s32 $0xC900;
	v3 =	vperm.xlane v3, v2  }
0x63: {  	[hbm4b:s4+s3] =	stream.indirect_vreg.scatter [tilespmem:s0], [sflag:$0x1], $0x80, v4, vm0, $0xb8;
	[tilespmem:$0x10100] =	vst v63  }
0x64: {  	v3 =	vadd.s32 v1, v3;
	s0 =	simm.s32 $0xD100  }
0x65: {  	[hbm4b:s5+s3] =	stream.indirect_vreg.scatter [tilespmem:s0], [sflag:$0x1], $0x80, v4, vm0, $0xb8;
	[tilespmem:$0x10100] =	vst v63  }
0x66: {  	s0 =	simm.s32 $0xD900  }
0x67: {  	[hbm4b:s6+s3] =	stream.indirect_vreg.scatter [tilespmem:s0], [sflag:$0x1], $0x80, v4, vm0, $0xb8;
	[tilespmem:$0x10100] =	vst v63  }
0x68: {  	s0 =	simm.s32 $0xE100  }
0x69: {  	[hbm4b:s2+s3] =	stream.indirect_vreg.scatter [tilespmem:s0], [sflag:$0x1], $0x80, v3, vm0, $0xb8;
	[tilespmem:$0x10100] =	vst v63  }
0x6a: {  	s0 =	simm.s32 $0xE900  }
0x6b: {  	[hbm4b:s4+s3] =	stream.indirect_vreg.scatter [tilespmem:s0], [sflag:$0x1], $0x80, v3, vm0, $0xb8;
	[tilespmem:$0x10100] =	vst v63  }
0x6c: {  	s0 =	simm.s32 $0xF100  }
0x6d: {  	[hbm4b:s5+s3] =	stream.indirect_vreg.scatter [tilespmem:s0], [sflag:$0x1], $0x80, v3, vm0, $0xb8;
	[tilespmem:$0x10100] =	vst v63  }
0x6e: {  	s0 =	simm.s32 $0xF900  }
0x6f: {  	[hbm4b:s6+s3] =	stream.indirect_vreg.scatter [tilespmem:s0], [sflag:$0x1], $0x80, v3, vm0, $0xb8;
	[tilespmem:$0x10100] =	vst v63  }
0x70: {  	v3 =	vld [tilespmem:$0x80];
	_ =	sdelay $0x4  }
0x71: {  	v60 =	vshll.u32 v3, $0x3  }
0x72: {  	v3 =	vand.u32 $0x7, v3;
	v4 =	vand.u32 $0xFFFFFFC0, v60  }
0x73: {  	v3 =	vor.u32 v3, v4  }
0x74: {  	v4 =	vperm.xlane v3, v0;
	_ =	sdelay $0x1  }
0x75: {  	v4 =	vadd.s32 v1, v4;
	_ =	sdelay $0x4  }
0x76: {  	[hbm4b:s2+s3] =	stream.indirect_vreg.scatter [tilespmem:s18], [sflag:$0x2], $0x80, v4, vm0, $0xb8;
	[tilespmem:$0x10100] =	vst v63  }
0x77: {  	v3 =	vperm.xlane v3, v2  }
0x78: {  	[hbm4b:s4+s3] =	stream.indirect_vreg.scatter [tilespmem:s20], [sflag:$0x2], $0x80, v4, vm0, $0xb8;
	[tilespmem:$0x10100] =	vst v63  }
0x79: {  	v3 =	vadd.s32 v1, v3  }
0x7a: {  	[hbm4b:s5+s3] =	stream.indirect_vreg.scatter [tilespmem:s21], [sflag:$0x2], $0x80, v4, vm0, $0xb8;
	[tilespmem:$0x10100] =	vst v63  }
0x7b: {  	_ = 	snop  }
0x7c: {  	[hbm4b:s6+s3] =	stream.indirect_vreg.scatter [tilespmem:s22], [sflag:$0x2], $0x80, v4, vm0, $0xb8;
	[tilespmem:$0x10100] =	vst v63  }
0x7d: {  	_ = 	snop  }
0x7e: {  	[hbm4b:s2+s3] =	stream.indirect_vreg.scatter [tilespmem:s23], [sflag:$0x2], $0x80, v3, vm0, $0xb8;
	[tilespmem:$0x10100] =	vst v63  }
0x7f: {  	_ = 	snop  }
0x80: {  	[hbm4b:s4+s3] =	stream.indirect_vreg.scatter [tilespmem:s24], [sflag:$0x2], $0x80, v3, vm0, $0xb8;
	[tilespmem:$0x10100] =	vst v63  }
0x81: {  	_ = 	snop  }
0x82: {  	[hbm4b:s5+s3] =	stream.indirect_vreg.scatter [tilespmem:s25], [sflag:$0x2], $0x80, v3, vm0, $0xb8;
	[tilespmem:$0x10100] =	vst v63  }
0x83: {  	_ = 	snop  }
0x84: {  	[hbm4b:s6+s3] =	stream.indirect_vreg.scatter [tilespmem:s26], [sflag:$0x2], $0x80, v3, vm0, $0xb8;
	[tilespmem:$0x10100] =	vst v63  }
0x85: {  	v3 =	vld [tilespmem:$0x90];
	_ =	sdelay $0x4  }
0x86: {  	v61 =	vshll.u32 v3, $0x3  }
0x87: {  	v3 =	vand.u32 $0x7, v3;
	v4 =	vand.u32 $0xFFFFFFC0, v61  }
0x88: {  	v3 =	vor.u32 v3, v4  }
0x89: {  	v4 =	vperm.xlane v3, v0;
	_ =	sdelay $0x1  }
0x8a: {  	v4 =	vadd.s32 v1, v4;
	_ =	sdelay $0x4  }
0x8b: {  	[hbm4b:s2+s3] =	stream.indirect_vreg.scatter [tilespmem:s28], [sflag:$0x2], $0x80, v4, vm0, $0xb8;
	[tilespmem:$0x10100] =	vst v63  }
0x8c: {  	v3 =	vperm.xlane v3, v2  }
0x8d: {  	[hbm4b:s4+s3] =	stream.indirect_vreg.scatter [tilespmem:s29], [sflag:$0x2], $0x80, v4, vm0, $0xb8;
	[tilespmem:$0x10100] =	vst v63  }
0x8e: {  	v3 =	vadd.s32 v1, v3  }
0x8f: {  	[hbm4b:s5+s3] =	stream.indirect_vreg.scatter [tilespmem:s30], [sflag:$0x2], $0x80, v4, vm0, $0xb8;
	[tilespmem:$0x10100] =	vst v63  }
0x90: {  	_ = 	snop  }
0x91: {  	[hbm4b:s6+s3] =	stream.indirect_vreg.scatter [tilespmem:s31], [sflag:$0x2], $0x80, v4, vm0, $0xb8;
	[tilespmem:$0x10100] =	vst v63  }
0x92: {  	s20 =	simm.s32 $0x6100  }
0x93: {  	[hbm4b:s2+s3] =	stream.indirect_vreg.scatter [tilespmem:s20], [sflag:$0x2], $0x80, v3, vm0, $0xb8;
	[tilespmem:$0x10100] =	vst v63  }
0x94: {  	_ = 	snop  }
0x95: {  	[hbm4b:s4+s3] =	stream.indirect_vreg.scatter [tilespmem:s1], [sflag:$0x2], $0x80, v3, vm0, $0xb8;
	[tilespmem:$0x10100] =	vst v63  }
0x96: {  	_ = 	snop  }
0x97: {  	[hbm4b:s5+s3] =	stream.indirect_vreg.scatter [tilespmem:s10], [sflag:$0x2], $0x80, v3, vm0, $0xb8;
	[tilespmem:$0x10100] =	vst v63  }
0x98: {  	_ = 	snop  }
0x99: {  	[hbm4b:s6+s3] =	stream.indirect_vreg.scatter [tilespmem:s11], [sflag:$0x2], $0x80, v3, vm0, $0xb8;
	[tilespmem:$0x10100] =	vst v63  }
0x9a: {  	v3 =	vld [tilespmem:$0xA0];
	_ =	sdelay $0x4  }
0x9b: {  	v62 =	vshll.u32 v3, $0x3  }
0x9c: {  	v3 =	vand.u32 $0x7, v3;
	v4 =	vand.u32 $0xFFFFFFC0, v62  }
0x9d: {  	v3 =	vor.u32 v3, v4  }
0x9e: {  	v4 =	vperm.xlane v3, v0;
	_ =	sdelay $0x1  }
0x9f: {  	v4 =	vadd.s32 v1, v4;
	_ =	sdelay $0x4  }
0xa0: {  	[hbm4b:s2+s3] =	stream.indirect_vreg.scatter [tilespmem:s12], [sflag:$0x2], $0x80, v4, vm0, $0xb8;
	[tilespmem:$0x10100] =	vst v63  }
0xa1: {  	v3 =	vperm.xlane v3, v2  }
0xa2: {  	[hbm4b:s4+s3] =	stream.indirect_vreg.scatter [tilespmem:s13], [sflag:$0x2], $0x80, v4, vm0, $0xb8;
	[tilespmem:$0x10100] =	vst v63  }
0xa3: {  	v3 =	vadd.s32 v1, v3  }
0xa4: {  	[hbm4b:s5+s3] =	stream.indirect_vreg.scatter [tilespmem:s14], [sflag:$0x2], $0x80, v4, vm0, $0xb8;
	[tilespmem:$0x10100] =	vst v63  }
0xa5: {  	_ = 	snop  }
0xa6: {  	[hbm4b:s6+s3] =	stream.indirect_vreg.scatter [tilespmem:s15], [sflag:$0x2], $0x80, v4, vm0, $0xb8;
	[tilespmem:$0x10100] =	vst v63  }
0xa7: {  	_ = 	snop  }
0xa8: {  	[hbm4b:s2+s3] =	stream.indirect_vreg.scatter [tilespmem:s16], [sflag:$0x2], $0x80, v3, vm0, $0xb8;
	[tilespmem:$0x10100] =	vst v63  }
0xa9: {  	_ = 	snop  }
0xaa: {  	[hbm4b:s4+s3] =	stream.indirect_vreg.scatter [tilespmem:s17], [sflag:$0x2], $0x80, v3, vm0, $0xb8;
	[tilespmem:$0x10100] =	vst v63  }
0xab: {  	_ = 	snop  }
0xac: {  	[hbm4b:s5+s3] =	stream.indirect_vreg.scatter [tilespmem:s8], [sflag:$0x2], $0x80, v3, vm0, $0xb8;
	[tilespmem:$0x10100] =	vst v63  }
0xad: {  	_ = 	snop  }
0xae: {  	[hbm4b:s6+s3] =	stream.indirect_vreg.scatter [tilespmem:s19], [sflag:$0x2], $0x80, v3, vm0, $0xb8;
	[tilespmem:$0x10100] =	vst v63  }
0xaf: {  	v3 =	vld [tilespmem:$0xB0];
	_ =	sdelay $0x4  }
0xb0: {  	v63 =	vshll.u32 v3, $0x3  }
0xb1: {  	v3 =	vand.u32 $0x7, v3;
	v4 =	vand.u32 $0xFFFFFFC0, v63  }
0xb2: {  	v3 =	vor.u32 v3, v4  }
0xb3: {  	v4 =	vperm.xlane v3, v0;
	_ =	sdelay $0x1  }
0xb4: {  	v4 =	vadd.s32 v1, v4;
	_ =	sdelay $0x4  }
0xb5: {  	[hbm4b:s2+s3] =	stream.indirect_vreg.scatter [tilespmem:s9], [sflag:$0x2], $0x80, v4, vm0, $0xb8;
	[tilespmem:$0x10100] =	vst v63  }
0xb6: {  	s20 =	simm.s32 $0xC900;
	v3 =	vperm.xlane v3, v2  }
0xb7: {  	[hbm4b:s4+s3] =	stream.indirect_vreg.scatter [tilespmem:s20], [sflag:$0x2], $0x80, v4, vm0, $0xb8;
	[tilespmem:$0x10100] =	vst v63  }
0xb8: {  	v3 =	vadd.s32 v1, v3;
	s20 =	simm.s32 $0xD100  }
0xb9: {  	[hbm4b:s5+s3] =	stream.indirect_vreg.scatter [tilespmem:s20], [sflag:$0x2], $0x80, v4, vm0, $0xb8;
	[tilespmem:$0x10100] =	vst v63  }
0xba: {  	s20 =	simm.s32 $0xD900  }
0xbb: {  	[hbm4b:s6+s3] =	stream.indirect_vreg.scatter [tilespmem:s20], [sflag:$0x2], $0x80, v4, vm0, $0xb8;
	[tilespmem:$0x10100] =	vst v63  }
0xbc: {  	s20 =	simm.s32 $0xE100  }
0xbd: {  	[hbm4b:s2+s3] =	stream.indirect_vreg.scatter [tilespmem:s20], [sflag:$0x2], $0x80, v3, vm0, $0xb8;
	[tilespmem:$0x10100] =	vst v63  }
0xbe: {  	s20 =	simm.s32 $0xE900  }
0xbf: {  	[hbm4b:s4+s3] =	stream.indirect_vreg.scatter [tilespmem:s20], [sflag:$0x2], $0x80, v3, vm0, $0xb8;
	[tilespmem:$0x10100] =	vst v63  }
0xc0: {  	s20 =	simm.s32 $0xF100  }
0xc1: {  	[hbm4b:s5+s3] =	stream.indirect_vreg.scatter [tilespmem:s20], [sflag:$0x2], $0x80, v3, vm0, $0xb8;
	[tilespmem:$0x10100] =	vst v63  }
0xc2: {  	s20 =	simm.s32 $0xF900  }
0xc3: {  	[hbm4b:s6+s3] =	stream.indirect_vreg.scatter [tilespmem:s20], [sflag:$0x2], $0x80, v3, vm0, $0xb8;
	[tilespmem:$0x10100] =	vst v63  }
0xc4: {  	s20 =	simm.s32 $0x1  }
0xc5: {  	p0 =	sne.s32 s7, $0x1;
	_ =	swait.ge [sflag:s20], $0x10000  }
.Ltmp0:
0xc6: {  	[sflag:s20] =	ssyncset.done $0x0;
	(pc) =	sbr.rel @p0 .LBB2_1-.Ltmp0, $4  }
0xc7: {  	[sflag:s20] =	ssyncadd.s32 $0xFFFF0000;
	s20 =	simm.s32 $0x2  }
0xc8: {  	_ =	swait.ge [sflag:s20], $0x10000  }
0xc9: {  	[sflag:s20] =	ssyncset.done $0x0  }
0xca: {  	s7 =	sadd.s32 $0xFFFFFFFF, s7;
	[sflag:s20] =	ssyncadd.s32 $0xFFFF0000  }
0xcb: {  	_ =	sfence.sel $0x180000  }
0xcc: {  	[bflag:$0x0] =	sbarrier.arrive $0xFFFF  }
0xcd: {  	_ =	strace $0x90000047  }
0xce: {  	s0 =	stileid.u32;
	[bflag:$0x2] =	sbarrier.arrive $0xFFFF  }
0xcf: {  	p0 =	sne.s32 s0, $0x0;
	s0 =	rddreg [dreg:$0x3]  }
0xd0: {  	s0 =	sadd.s32 @!p0 $0x100000, s0  }
0xd1: {  	[sflag:s0] =	ssyncadd.tile.s32 @!p0 $0x1;
	_ =	shalt  }
.Lfunc_end2:
_tile_overlayer_lowered:
.L_overlay_start_2:
0xd2: {  	(tag) =	ssettag $0x2  }
0xd3: {  	s0 =	rddreg [dreg:$0x0];
	s2 =	stileid.u32  }
0xd4: {  	s1 =	rddreg [dreg:$0x1];
	p0 =	sne.s32 s2, $0x0  }
0xd5: {  	s3 =	rddreg [dreg:$0x2];
	[bflag:$0x3] =	sbarrier.arrive $0xFFFF;
	s2 =	simm.s32 @!p0 $0x1C03  }
0xd6: {  	[timem:s3], [sflag:s2] =	dma.local @!p0 [hbm:s0], s1  }
0xd7: {  	s0 =	simm.s32 @!p0 $0x3  }
0xd8: {  	_ =	swait.ge @!p0 [sflag:s0], s1  }
0xd9: {  	s1 =	ssub.s32 @!p0 $0x0, s1;
	[sflag:s0] =	ssyncset.done @!p0 $0x0  }
0xda: {  	[sflag:s0] =	ssyncadd.s32 @!p0 s1  }
0xdb: {  	[bflag:$0x3] =	sbarrier.arrive $0xFFFF  }
0xdc: {  	_ =	shalt  }

// kernel: kernel.9.cloned.1.call-start
scs
__scs_entry_jumppad:
0x0: {  	(pc) =	sbr.rel $0x88, $3  }
0x1: {  	(tag) =	ssettag $0x0;
	lr =	simm.s32 $0x1  }
0x2: {  	[smem:$0x3F9C] =	sst lr;
	_ =	strace $0xD0000000  }
0x3: {  	_ = 	snop  }
0x4: {  	_ = 	snop  }
0x5: {  	_ = 	snop  }
0x6: {  	_ = 	snop  }
0x7: {  	_ = 	snop  }
__scs_overlays_trampoline_lowered:
0x8: {  	[smem:$0x3FAB] =	sst s0  }
0x9: {  	[smem:$0x3FAC] =	sst s1  }
0xa: {  	[smem:$0x3FAD] =	sst s2  }
0xb: {  	[smem:$0x3FAE] =	sst s3  }
0xc: {  	[smem:$0x3FAF] =	sst s4  }
0xd: {  	[smem:$0x3FB0] =	sst s5  }
0xe: {  	[smem:$0x3FB1] =	sst s6  }
0xf: {  	[smem:$0x3FB2] =	sst s7  }
0x10: {  	[smem:$0x3FB3] =	sst s8  }
0x11: {  	[smem:$0x3FB4] =	sst s9;
	s0 =	simm.s32 @!p0 $0x0  }
0x12: {  	s1 =	sld [smem:$0x3F9A];
	s0 =	simm.s32 @p0 $0x1  }
0x13: {  	[smem:$0x3FB5] =	sst s0;
	s0 =	simm.s32 @!p1 $0x0  }
0x14: {  	s2 =	sld [smem:$0x3F99];
	s0 =	simm.s32 @p1 $0x1  }
0x15: {  	[smem:$0x3FB6] =	sst s0;
	s0 =	simm.s32 @!p2 $0x0  }
0x16: {  	s3 =	sld [smem:$0x3FDB];
	s0 =	simm.s32 @p2 $0x1  }
0x17: {  	s4 =	simm.s32 $0x1BF5;
	[smem:$0x3FB8] =	sst s0  }
0x18: {  	s0 =	sld [smem:$0x3F9B];
	_ =	swait.ge [sflag:s4], $0x0  }
0x19: {  	s7 =	sld [smem:$0x3F9C]  }
0x1a: {  	s8 =	sadd.s32 $0xFFFFE003, lr  }
0x1b: {  	s9 =	sadd.s32 $0xFFFFFEF7, lr;
	s5 =	simm.s32 $0xFFFFFFFF;
	p2 =	slt.u32 s8, $0xFFFFF086  }
0x1c: {  	p1 =	slt.u32 s9, $0xF7A;
	s5 =	simm.s32 @!p2 $0x0  }
0x1d: {  	s5 =	simm.s32 @p1 $0x1;
	p0 =	seq.s32 s7, s2  }
0x1e: {  	s7 =	smul.u32 @!p0 $0xF7A, s2;
	p2 =	seq.s32 @!p0 s5, $0x0  }
0x1f: {  	s9 =	smul.u32 $0xF7A, s1;
	s8 =	simm.s32 @!p0 $0x1BF5;
	p2 =	por !p2, p0  }
0x20: {  	[sflag:s8] =	ssyncset.s32 @!p0 $0xFFFFF086;
	s6 =	sadd.s32 @!p0 s3, s7;
	s7 =	simm.s32 @!p0 $0x108  }
0x21: {  	s3 =	sadd.s32 s3, s9;
	s6 =	sadd.s32 @!p0 $0x88, s6;
	s7 =	simm.s32 @p2 $0x1082  }
0x22: {  	[simem:s7], [sflag:s8] =	dma.local @!p0 [hbm:s6], $0xF7A  }
0x23: {  	s9 =	sor.u32 $0xD0000000, s2;
	s6 =	simm.s32 $0x108;
	_ =	swait.ge @!p0 [sflag:s8], $0x0  }
0x24: {  	s3 =	sadd.s32 $0x88, s3;
	s6 =	simm.s32 @!p1 $0x1082;
	[sflag:s4] =	ssyncset.s32 $0xFFFFF086  }
0x25: {  	[simem:s6], [sflag:s4] =	dma.local [hbm:s3], $0xF7A  }
0x26: {  	[smem:$0x3F9C] =	sst s1;
	(tag) =	ssettag s2;
	_ =	strace s9  }
0x27: {  	s1 =	sld [smem:$0x3FAC]  }
0x28: {  	s2 =	sld [smem:$0x3FAD]  }
0x29: {  	s4 =	sld [smem:$0x3FAF]  }
0x2a: {  	p0 =	seq.s32 s5, $0x0;
	s5 =	sld [smem:$0x3FB0]  }
0x2b: {  	s6 =	sld [smem:$0x3FB1]  }
0x2c: {  	s7 =	sld [smem:$0x3FB2]  }
0x2d: {  	s3 =	simm.s32 $0x108;
	s8 =	sld [smem:$0x3FB3]  }
0x2e: {  	s3 =	simm.s32 @!p0 $0x1082;
	s9 =	sld [smem:$0x3FB4]  }
0x2f: {  	lr =	sadd.s32 s0, s3;
	s0 =	sld [smem:$0x3FAB]  }
0x30: {  	s3 =	sld [smem:$0x3FAE]  }
0x31: {  	[smem:$0x3FB7] =	sst s10  }
0x32: {  	s10 =	sld [smem:$0x3FB5];
	_ =	sdelay $0x3  }
0x33: {  	p0 =	seq.s32 s10, $0x1;
	s10 =	sld [smem:$0x3FB7];
	_ =	sdelay $0x3  }
0x34: {  	[smem:$0x3FB7] =	sst s10  }
0x35: {  	s10 =	sld [smem:$0x3FB6];
	_ =	sdelay $0x3  }
0x36: {  	p1 =	seq.s32 s10, $0x1;
	s10 =	sld [smem:$0x3FB7];
	_ =	sdelay $0x3  }
0x37: {  	[smem:$0x3FB7] =	sst s10  }
0x38: {  	s10 =	sld [smem:$0x3FB8]  }
0x39: {  	_ = 	snop;
	(pc) =	sbr.ind lr, $3  }
0x3a: {  	_ = 	snop  }
0x3b: {  	_ = 	snop  }
0x3c: {  	p2 =	seq.s32 s10, $0x1;
	s10 =	sld [smem:$0x3FB7]  }
0x3d: {  	_ =	shalt  }
0x3e: {  	_ =	shalt  }
0x3f: {  	_ =	shalt  }
0x40: {  	_ =	shalt  }
0x41: {  	_ =	shalt  }
0x42: {  	_ =	shalt  }
0x43: {  	_ =	shalt  }
0x44: {  	_ =	shalt  }
0x45: {  	_ =	shalt  }
0x46: {  	_ =	shalt  }
0x47: {  	_ =	shalt  }
0x48: {  	_ =	shalt  }
0x49: {  	_ =	shalt  }
0x4a: {  	_ =	shalt  }
0x4b: {  	_ =	shalt  }
0x4c: {  	_ =	shalt  }
0x4d: {  	_ =	shalt  }
0x4e: {  	_ =	shalt  }
0x4f: {  	_ =	shalt  }
0x50: {  	_ =	shalt  }
0x51: {  	_ =	shalt  }
0x52: {  	_ =	shalt  }
0x53: {  	_ =	shalt  }
0x54: {  	_ =	shalt  }
0x55: {  	_ =	shalt  }
0x56: {  	_ =	shalt  }
0x57: {  	_ =	shalt  }
0x58: {  	_ =	shalt  }
0x59: {  	_ =	shalt  }
0x5a: {  	_ =	shalt  }
0x5b: {  	_ =	shalt  }
0x5c: {  	_ =	shalt  }
0x5d: {  	_ =	shalt  }
0x5e: {  	_ =	shalt  }
0x5f: {  	_ =	shalt  }
0x60: {  	_ =	shalt  }
0x61: {  	_ =	shalt  }
0x62: {  	_ =	shalt  }
0x63: {  	_ =	shalt  }
0x64: {  	_ =	shalt  }
0x65: {  	_ =	shalt  }
0x66: {  	_ =	shalt  }
0x67: {  	_ =	shalt  }
0x68: {  	_ =	shalt  }
0x69: {  	_ =	shalt  }
0x6a: {  	_ =	shalt  }
0x6b: {  	_ =	shalt  }
0x6c: {  	_ =	shalt  }
0x6d: {  	_ =	shalt  }
0x6e: {  	_ =	shalt  }
0x6f: {  	_ =	shalt  }
0x70: {  	_ =	shalt  }
0x71: {  	_ =	shalt  }
0x72: {  	_ =	shalt  }
0x73: {  	_ =	shalt  }
0x74: {  	_ =	shalt  }
0x75: {  	_ =	shalt  }
0x76: {  	_ =	shalt  }
0x77: {  	_ =	shalt  }
0x78: {  	_ =	shalt  }
0x79: {  	_ =	shalt  }
0x7a: {  	_ =	shalt  }
0x7b: {  	_ =	shalt  }
0x7c: {  	_ =	shalt  }
0x7d: {  	_ =	shalt  }
0x7e: {  	_ =	shalt  }
0x7f: {  	_ =	shalt  }
0x80: {  	_ =	shalt  }
0x81: {  	_ =	shalt  }
0x82: {  	_ =	shalt  }
0x83: {  	_ =	shalt  }
0x84: {  	_ =	shalt  }
0x85: {  	_ =	shalt  }
0x86: {  	_ =	shalt  }
0x87: {  	_ =	shalt  }
.Lfunc_end0:
.L_simem_size_0:
called_computation.1_lowered:
.L_overlay_start_0:
0x88: {  	s2 =	sld [smem:$0x3FD9]  }
0x89: {  	s3 =	sld [smem:$0x3FFE];
	_ =	sdelay $0x1  }
0x8a: {  	s1 =	srdreg.scid  }
0x8b: {  	s0 =	sand.u32 $0x1, s1  }
0x8c: {  	s17 =	sshll.u32 s0, $0xA;
	s2 =	sadd.s32 s3, s2  }
0x8d: {  	s2 =	sadd.s32 s2, s17  }
0x8e: {  	[smem:$0x3FC3] =	sst s2  }
0x8f: {  	_ = 	snop  }
0x90: {  	s2 =	sld [smem:$0x3FD0];
	(tm) =	ssettm $0x1  }
0x91: {  	s18 =	sld [smem:$0x3FFB];
	_ =	sdelay $0x3  }
0x92: {  	_ =	strace s18  }
0x93: {  	s3 =	sld [smem:$0x3FFC];
	_ =	sdelay $0x3  }
0x94: {  	_ =	strace s3  }
0x95: {  	s3 =	sld [smem:$0x3FFD];
	_ =	sdelay $0x3  }
0x96: {  	_ =	strace s3  }
0x97: {  	_ =	strace $0x8FFFFFFF  }
0x98: {  	s19 =	sld [smem:$0x3FDB];
	_ =	sdelay $0x1  }
0x99: {  	s4 =	simm.s32 $_scs_section_size  }
0x9a: {  	s5 =	simm.s32 $_size__tile_overlayer_lowered;
	s6 =	simm.s32 $_tile_overlayer_lowered  }
0x9b: {  	s22 =	simm.s32 $0x1BFF;
	s21 =	sshll.u32 s6, $0x1;
	s3 =	sadd.s32 s4, s19  }
0x9c: {  	s7 =	simm.s32 $0x0;
	s20 =	sshll.u32 s5, $0x1;
	s5 =	sadd.s32 s21, s3  }
0x9d: {  	[timem:s7], [sflag:s22] =	dma.local [hbm:s5], s20  }
0x9e: {  	_ =	swait.ge [sflag:s22], s20  }
0x9f: {  	s4 =	ssub.s32 $0x0, s20;
	[sflag:s22] =	ssyncset.done $0x0  }
0xa0: {  	[sflag:s22] =	ssyncadd.s32 s4;
	_ =	sdelay $0x1  }
0xa1: {  	s23 =	simm.s32 $0x1B8B  }
0xa2: {  	_ =	swait.ge [sflag:s23], $0x1  }
0xa3: {  	[sflag:s23] =	ssyncset.done $0x0  }
0xa4: {  	s25 =	simm.s32 $0x1B8E;
	s24 =	sld [smem:$0x3FFE];
	[sflag:s23] =	ssyncadd.s32 $0xFFFFFFFF  }
0xa5: {  	s26 =	simm.s32 $execute0_lowered;
	[smem:$0x3FD2] =	sst s25  }
0xa6: {  	s5 =	sshll.u32 s26, $0x1;
	_ =	strace $0x80000049;
	[dreg:$0x1] =	wrdreg $0xFFFFFFFF  }
0xa7: {  	s28 =	simm.s32 $_size_execute0_lowered;
	s3 =	sadd.s32 s3, s5;
	[dreg:$0x0] =	wrdreg $0x0  }
0xa8: {  	s5 =	sshll.u32 s28, $0x1;
	[dreg:$0x2] =	wrdreg s3  }
0xa9: {  	[dreg:$0x3] =	wrdreg s5  }
0xaa: {  	[dreg:$0x4] =	wrdreg $0xC0  }
0xab: {  	_ =	task [dreg:s7], $0x5FFFF  }
0xac: {  	[dreg:$0x1] =	wrdreg $0xFFFFFFFF  }
0xad: {  	[dreg:$0x0] =	wrdreg $0x60  }
0xae: {  	[dreg:$0x2] =	wrdreg s24  }
0xaf: {  	[dreg:$0x3] =	wrdreg s2  }
0xb0: {  	[dreg:$0x4] =	wrdreg $0x9  }
0xb1: {  	_ =	task.clear_ibuf [dreg:s7], $0x5FFFF;
	_ =	strace $0x90000049  }
0xb2: {  	s29 =	simm.s32 $0x9;
	_ =	strace $0x8000004B  }
0xb3: {  	_ =	swait.ge [sflag:s29], $0x1  }
0xb4: {  	[sflag:s29] =	ssyncadd.s32 $0xFFFFFFFF  }
0xb5: {  	_ =	strace $0x9000004B  }
0xb6: {  	_ =	sfence  }
0xb7: {  	s30 =	sld [smem:$0x0];
	_ =	sdelay $0x2  }
0xb8: {  	s31 =	sshll.u32 s1, $0xD;
	s1 =	sshrl.u32 s1, $0x2  }
0xb9: {  	s3 =	sand.u32 $0x4000, s31;
	s1 =	sadd.s32 s1, s30  }
0xba: {  	s0 =	sor.u32 s3, s0;
	s1 =	sshll.u32 s1, $0x11  }
0xbb: {  	s0 =	sor.u32 s1, s0  }
0xbc: {  	s0 =	sadd.s32 $0x8F2B, s0  }
0xbd: {  	[sflag:s0] =	ssyncadd.remote.s32 $0x1  }
0xbe: {  	_ =	sfence.sel $0xFFFF  }
0xbf: {  	[dreg:$0x0] =	wrdreg $0xFFFFFFFF;
	(pc) =	sbr.abs _section_cstart, $3  }
0xc0: {  	[dreg:$0x1] =	wrdreg $0xFFFFFFFF  }
0xc1: {  	_ =	task.clear_ibuf [dreg:s7], $0x2FFFF;
	_ =	strace $0x9FFFFFFF  }
0xc2: {  	(tm) =	ssettm $0x7FFFFFFF  }
0xc3: {  	_ =	shalt  }
tec
execute0_lowered:
.L_overlay_start_1:
0x0: {  	(tag) =	ssettag $0x1  }
0x1: {  	s0 =	rddreg [dreg:$0x0]  }
0x2: {  	s1 =	rddreg [dreg:$0x1];
	s2 =	simm.s32 $0x0  }
0x3: {  	s3 =	srdreg.scid;
	s5 =	stileid.u32;
	s28 =	simm.s32 $0x2900  }
0x4: {  	s29 =	simm.s32 $0x3100;
	s30 =	simm.s32 $0x3900;
	s31 =	simm.s32 $0x4100  }
0x5: {  	[smem:$0x7FF] =	sst s2;
	s4 =	sand.u32 $0x1, s3;
	s3 =	sadd.s32 $0x180400, s0  }
0x6: {  	s5 =	sshll.u32 s5, $0x7;
	s9 =	sadd.s32 $0x180200, s0;
	s10 =	sadd.s32 $0x180000, s0  }
0x7: {  	s8 =	sadd.s32 $0x180700, s0;
	s6 =	sshll.u32 s4, $0x6;
	s4 =	ssub.s32 $0x2, s4  }
0x8: {  	_ =	strace $0x8000004A;
	s5 =	sor.u32 s6, s5;
	s13 =	sshrl.u32 s4, $0x1  }
0x9: {  	s6 =	sadd.s32 $0x180500, s0;
	s7 =	sshrl.u32 s5, $0x3;
	s4 =	ssub.s32 s4, s13  }
0xa: {  	s11 =	sor.u32 $0x10, s5;
	s16 =	sshll.u32 s5, $0x7;
	s18 =	sor.u32 $0x20, s5  }
0xb: {  	s5 =	sor.u32 $0x30, s5;
	s13 =	simm.s32 $0x2;
	s14 =	sadd.s32 s9, s7  }
0xc: {  	s15 =	sadd.s32 s10, s7;
	s7 =	sadd.s32 $0x180600, s0;
	s12 =	sshrl.u32 s11, $0x3  }
0xd: {  	s0 =	sadd.s32 s1, s16;
	s11 =	sshll.u32 s11, $0x7;
	[dreg:$0x3] =	wrdreg s14  }
0xe: {  	s19 =	sshrl.u32 s18, $0x3;
	s22 =	sshrl.u32 s5, $0x3;
	[dreg:$0x4] =	wrdreg s15  }
0xf: {  	s24 =	sshll.u32 s5, $0x7;
	s26 =	smax.u32 s4, $0x1;
	[dreg:$0x5] =	wrdreg s0  }
0x10: {  	s4 =	simm.s32 $0x5900;
	s17 =	sadd.s32 s9, s12;
	[dreg:$0xf] =	wrdreg s26  }
0x11: {  	s5 =	simm.s32 $0x6100;
	s12 =	sadd.s32 s10, s12;
	[dreg:$0x6] =	wrdreg s17  }
0x12: {  	s11 =	sadd.s32 s1, s11;
	s20 =	sadd.s32 s9, s19;
	[dreg:$0x7] =	wrdreg s12  }
0x13: {  	s21 =	sadd.s32 s10, s19;
	s0 =	sshll.u32 s18, $0x7;
	[dreg:$0x8] =	wrdreg s11  }
0x14: {  	s23 =	sadd.s32 s9, s22;
	s25 =	sadd.s32 s10, s22;
	[dreg:$0x9] =	wrdreg s20  }
0x15: {  	s22 =	simm.s32 $0x100;
	s26 =	simm.s32 $0x2100;
	[dreg:$0xa] =	wrdreg s21  }
0x16: {  	s9 =	simm.s32 $0x6900;
	s10 =	simm.s32 $0x7100;
	[dreg:$0xc] =	wrdreg s23  }
0x17: {  	s14 =	simm.s32 $0x0;
	s0 =	sadd.s32 s1, s0;
	[dreg:$0xd] =	wrdreg s25  }
0x18: {  	v2 =	vlaneseq.u32;
	s20 =	simm.s32 $0x3;
	s25 =	simm.s32 $0x1900;
	s11 =	simm.s32 $0x7900  }
0x19: {  	vm0 =	vmmov $0xffff;
	v1 =	vshrl.u32 v2, $0x3;
	s12 =	simm.s32 $0x1;
	[dreg:$0xb] =	wrdreg s0;
	s0 =	sadd.s32 s1, s24  }
0x1a: {  	v0 =	vand.u32 $0x7, v2;
	v2 =	vor.u32 $0x8, v2;
	v1 =	vmul.u32 $0x8, v1;
	s1 =	simm.s32 $0x5100;
	[dreg:$0xe] =	wrdreg s0;
	s0 =	simm.s32 $0x4900  }
.LBB2_1:
0x1b: {  	s15 =	rddreg [dreg:$0x3]  }
0x1c: {  	[tilespmem:s2], [sflag:$0x3] =	stream.linear.gather [hbm4b:s15+s2], $0x10, $0x38;
	[tilespmem:$0x8100] =	vst v63  }
0x1d: {  	_ =	swait.ge [sflag:s20], $0x10  }
0x1e: {  	[sflag:s20] =	ssyncset.done $0x0  }
0x1f: {  	s16 =	simm.s32 $0x80;
	s23 =	rddreg [dreg:$0x4];
	[sflag:s20] =	ssyncadd.s32 $0xFFFFFFF0  }
0x20: {  	[tilespmem:s16], [sflag:$0x3] =	stream.linear.gather [hbm4b:s23+s2], $0x10, $0x38;
	[tilespmem:$0x8100] =	vst v63  }
0x21: {  	_ =	swait.ge [sflag:s20], $0x10  }
0x22: {  	[sflag:s20] =	ssyncset.done $0x0  }
0x23: {  	[sflag:s20] =	ssyncadd.s32 $0xFFFFFFF0  }
0x24: {  	v3 =	vld [tilespmem:$0x0];
	_ =	sdelay $0x4  }
0x25: {  	v4 =	vshll.u32 v3, $0x3  }
0x26: {  	v3 =	vand.u32 $0x7, v3;
	v4 =	vand.u32 $0xFFFFFFC0, v4  }
0x27: {  	v3 =	vor.u32 v3, v4  }
0x28: {  	v4 =	vperm.xlane v3, v0;
	_ =	sdelay $0x1  }
0x29: {  	v4 =	vadd.s32 v1, v4;
	_ =	sdelay $0x4  }
0x2a: {  	[tilespmem:s22], [sflag:$0x1] =	stream.indirect_vreg.gather [hbm4b:s3+s2], $0x80, v4, vm0, $0xb8;
	[tilespmem:$0x8100] =	vst v63  }
0x2b: {  	s24 =	simm.s32 $0x900;
	v3 =	vperm.xlane v3, v2  }
0x2c: {  	[tilespmem:s24], [sflag:$0x1] =	stream.indirect_vreg.gather [hbm4b:s6+s2], $0x80, v4, vm0, $0xb8;
	[tilespmem:$0x8100] =	vst v63  }
0x2d: {  	s16 =	simm.s32 $0x1100;
	v3 =	vadd.s32 v1, v3  }
0x2e: {  	[tilespmem:s16], [sflag:$0x1] =	stream.indirect_vreg.gather [hbm4b:s7+s2], $0x80, v4, vm0, $0xb8;
	[tilespmem:$0x8100] =	vst v63  }
0x2f: {  	_ = 	snop  }
0x30: {  	[tilespmem:s25], [sflag:$0x1] =	stream.indirect_vreg.gather [hbm4b:s8+s2], $0x80, v4, vm0, $0xb8;
	[tilespmem:$0x8100] =	vst v63  }
0x31: {  	_ = 	snop  }
0x32: {  	[tilespmem:s26], [sflag:$0x1] =	stream.indirect_vreg.gather [hbm4b:s3+s2], $0x80, v3, vm0, $0xb8;
	[tilespmem:$0x8100] =	vst v63  }
0x33: {  	_ = 	snop  }
0x34: {  	[tilespmem:s28], [sflag:$0x1] =	stream.indirect_vreg.gather [hbm4b:s6+s2], $0x80, v3, vm0, $0xb8;
	[tilespmem:$0x8100] =	vst v63  }
0x35: {  	_ = 	snop  }
0x36: {  	[tilespmem:s29], [sflag:$0x1] =	stream.indirect_vreg.gather [hbm4b:s7+s2], $0x80, v3, vm0, $0xb8;
	[tilespmem:$0x8100] =	vst v63  }
0x37: {  	_ = 	snop  }
0x38: {  	[tilespmem:s30], [sflag:$0x1] =	stream.indirect_vreg.gather [hbm4b:s8+s2], $0x80, v3, vm0, $0xb8;
	[tilespmem:$0x8100] =	vst v63  }
0x39: {  	v3 =	vld [tilespmem:$0x80];
	_ =	sdelay $0x4  }
0x3a: {  	v4 =	vshll.u32 v3, $0x3  }
0x3b: {  	v3 =	vand.u32 $0x7, v3;
	v4 =	vand.u32 $0xFFFFFFC0, v4  }
0x3c: {  	v3 =	vor.u32 v3, v4  }
0x3d: {  	v4 =	vperm.xlane v3, v0;
	_ =	sdelay $0x1  }
0x3e: {  	v4 =	vadd.s32 v1, v4;
	_ =	sdelay $0x4  }
0x3f: {  	[tilespmem:s31], [sflag:$0x2] =	stream.indirect_vreg.gather [hbm4b:s3+s2], $0x80, v4, vm0, $0xb8;
	[tilespmem:$0x8100] =	vst v63  }
0x40: {  	v3 =	vperm.xlane v3, v2  }
0x41: {  	[tilespmem:s0], [sflag:$0x2] =	stream.indirect_vreg.gather [hbm4b:s6+s2], $0x80, v4, vm0, $0xb8;
	[tilespmem:$0x8100] =	vst v63  }
0x42: {  	v3 =	vadd.s32 v1, v3  }
0x43: {  	[tilespmem:s1], [sflag:$0x2] =	stream.indirect_vreg.gather [hbm4b:s7+s2], $0x80, v4, vm0, $0xb8;
	[tilespmem:$0x8100] =	vst v63  }
0x44: {  	_ = 	snop  }
0x45: {  	[tilespmem:s4], [sflag:$0x2] =	stream.indirect_vreg.gather [hbm4b:s8+s2], $0x80, v4, vm0, $0xb8;
	[tilespmem:$0x8100] =	vst v63  }
0x46: {  	_ = 	snop  }
0x47: {  	[tilespmem:s5], [sflag:$0x2] =	stream.indirect_vreg.gather [hbm4b:s3+s2], $0x80, v3, vm0, $0xb8;
	[tilespmem:$0x8100] =	vst v63  }
0x48: {  	_ = 	snop  }
0x49: {  	[tilespmem:s9], [sflag:$0x2] =	stream.indirect_vreg.gather [hbm4b:s6+s2], $0x80, v3, vm0, $0xb8;
	[tilespmem:$0x8100] =	vst v63  }
0x4a: {  	_ = 	snop  }
0x4b: {  	[tilespmem:s10], [sflag:$0x2] =	stream.indirect_vreg.gather [hbm4b:s7+s2], $0x80, v3, vm0, $0xb8;
	[tilespmem:$0x8100] =	vst v63  }
0x4c: {  	_ = 	snop  }
0x4d: {  	[tilespmem:s11], [sflag:$0x2] =	stream.indirect_vreg.gather [hbm4b:s8+s2], $0x80, v3, vm0, $0xb8;
	[tilespmem:$0x8100] =	vst v63  }
0x4e: {  	_ =	swait.ge [sflag:s12], $0x4000  }
0x4f: {  	s17 =	simm.s32 $0x0;
	s18 =	sand.u32 $0x1C00, s2;
	[sflag:s12] =	ssyncset.done $0x0  }
0x50: {  	s15 =	sand.u32 $0x2000, s17;
	s17 =	simm.s32 $0x0;
	[sflag:s12] =	ssyncadd.s32 $0xFFFFC000  }
0x51: {  	s15 =	sor.u32 s18, s15;
	s19 =	sand.u32 $0x380, s17;
	_ =	swait.ge [sflag:s13], $0x4000  }
0x52: {  	s21 =	sand.u32 $0x40, s2;
	s15 =	sor.u32 s19, s15;
	[sflag:s13] =	ssyncset.done $0x0  }
0x53: {  	s15 =	sor.u32 s21, s15;
	[sflag:s13] =	ssyncadd.s32 $0xFFFFC000  }
0x54: {  	v11 =	vld [tilespmem:s15+$0x4100]  }
0x55: {  	v7 =	vld [tilespmem:s15+$0x4110]  }
0x56: {  	v6 =	vld [tilespmem:s15+$0x4120]  }
0x57: {  	s17 =	simm.s32 $0x200;
	s23 =	simm.s32 $0x40;
	v4 =	vld [tilespmem:s15+$0x4130]  }
0x58: {  	s18 =	sand.u32 $0x1C00, s17;
	s19 =	simm.s32 $0x8;
	s16 =	sand.u32 $0x2000, s23;
	v12 =	vld [tilespmem:s15+$0x100]  }
0x59: {  	s19 =	sand.u32 $0x380, s19;
	s16 =	sor.u32 s18, s16;
	s18 =	simm.s32 $0x40;
	v9 =	vld [tilespmem:s15+$0x110]  }
0x5a: {  	s16 =	sor.u32 s19, s16;
	s24 =	sand.u32 $0x40, s18;
	v10 =	vld [tilespmem:s15+$0x120]  }
0x5b: {  	s16 =	sor.u32 s24, s16;
	v8 =	vld [tilespmem:s15+$0x130]  }
0x5c: {  	v3 =	vld [tilespmem:s16+$0x4100]  }
0x5d: {  	s19 =	simm.s32 $0x4;
	v5 =	vld [tilespmem:s16+$0x4110];
	v11 =	vadd.f32 v11, v12  }
.LBB2_2:
0x5e: {  	s19 =	sadd.s32 $0x4, s19;
	v12 =	vld [tilespmem:s16+$0x4120];
	v7 =	vadd.f32 v7, v9;
	s17 =	sadd.s32 $0x200, s17  }
0x5f: {  	s18 =	sadd.s32 $0x40, s18;
	s21 =	sshll.u32 s19, $0x4;
	p0 =	slt.u32 s19, $0x3FC;
	v13 =	vld [tilespmem:s16+$0x4130];
	[tilespmem:s15+$0x100] =	vst v11;
	v6 =	vadd.f32 v6, v10  }
0x60: {  	s23 =	sand.u32 $0x1C00, s17;
	s24 =	sshll.u32 s19, $0x1;
	s21 =	sand.u32 $0x2000, s21;
	v11 =	vld [tilespmem:s16+$0x100];
	[tilespmem:s15+$0x110] =	vst v7;
	v4 =	vadd.f32 v4, v8  }
.Ltmp0:
0x61: {  	s21 =	sor.u32 s23, s21;
	s23 =	sand.u32 $0x380, s24;
	v9 =	vld [tilespmem:s16+$0x110];
	[tilespmem:s15+$0x120] =	vst v6;
	(pc) =	sbr.rel @p0 .LBB2_2-.Ltmp0, $4  }
0x62: {  	s24 =	sand.u32 $0x40, s18;
	v14 =	vmov v3;
	s21 =	sor.u32 s23, s21;
	v10 =	vld [tilespmem:s16+$0x120];
	[tilespmem:s15+$0x130] =	vst v4;
	v7 =	vmov v5;
	s15 =	smov.u32 s16  }
0x63: {  	s16 =	sor.u32 s24, s21;
	v8 =	vld [tilespmem:s15+$0x130];
	v6 =	vmov v12  }
0x64: {  	v3 =	vld [tilespmem:s16+$0x4100];
	v4 =	vmov v13  }
0x65: {  	v5 =	vld [tilespmem:s16+$0x4110];
	v11 =	vadd.f32 v14, v11  }
0x66: {  	v12 =	vld [tilespmem:s16+$0x4120];
	v7 =	vadd.f32 v7, v9  }
0x67: {  	v13 =	vld [tilespmem:s16+$0x4130];
	[tilespmem:s15+$0x100] =	vst v11;
	v6 =	vadd.f32 v6, v10  }
0x68: {  	v9 =	vld [tilespmem:s16+$0x100];
	[tilespmem:s15+$0x110] =	vst v7;
	v4 =	vadd.f32 v4, v8  }
0x69: {  	v7 =	vld [tilespmem:s16+$0x110];
	[tilespmem:s15+$0x120] =	vst v6  }
0x6a: {  	v6 =	vld [tilespmem:s16+$0x120];
	[tilespmem:s15+$0x130] =	vst v4  }
0x6b: {  	v4 =	vld [tilespmem:s16+$0x130];
	_ =	sdelay $0x1  }
0x6c: {  	v3 =	vadd.f32 v3, v9  }
0x6d: {  	v5 =	vadd.f32 v5, v7  }
0x6e: {  	[tilespmem:s16+$0x100] =	vst v3;
	v3 =	vadd.f32 v12, v6  }
0x6f: {  	[tilespmem:s16+$0x110] =	vst v5;
	v4 =	vadd.f32 v13, v4  }
0x70: {  	[tilespmem:s16+$0x120] =	vst v3  }
0x71: {  	s24 =	rddreg [dreg:$0x5];
	s15 =	simm.s32 $0x0;
	[tilespmem:s16+$0x130] =	vst v4  }
0x72: {  	[hbm4b:s24+s15] =	stream.linear.scatter [tilespmem:s22], [sflag:$0x3], $0x4000, $0x38;
	[tilespmem:$0x8100] =	vst v63  }
0x73: {  	_ =	swait.ge [sflag:s20], $0x4000  }
0x74: {  	[sflag:s20] =	ssyncset.done $0x0  }
0x75: {  	s17 =	rddreg [dreg:$0x6];
	[sflag:s20] =	ssyncadd.s32 $0xFFFFC000  }
0x76: {  	[tilespmem:s15], [sflag:$0x3] =	stream.linear.gather [hbm4b:s17+s15], $0x10, $0x38;
	[tilespmem:$0x8100] =	vst v63  }
0x77: {  	_ =	swait.ge [sflag:s20], $0x10  }
0x78: {  	[sflag:s20] =	ssyncset.done $0x0  }
0x79: {  	s17 =	simm.s32 $0x80;
	s18 =	rddreg [dreg:$0x7];
	[sflag:s20] =	ssyncadd.s32 $0xFFFFFFF0  }
0x7a: {  	[tilespmem:s17], [sflag:$0x3] =	stream.linear.gather [hbm4b:s18+s15], $0x10, $0x38;
	[tilespmem:$0x8100] =	vst v63  }
0x7b: {  	_ =	swait.ge [sflag:s20], $0x10  }
0x7c: {  	[sflag:s20] =	ssyncset.done $0x0  }
0x7d: {  	[sflag:s20] =	ssyncadd.s32 $0xFFFFFFF0  }
0x7e: {  	v3 =	vld [tilespmem:$0x0];
	_ =	sdelay $0x4  }
0x7f: {  	v4 =	vshll.u32 v3, $0x3  }
0x80: {  	v3 =	vand.u32 $0x7, v3;
	v4 =	vand.u32 $0xFFFFFFC0, v4  }
0x81: {  	v3 =	vor.u32 v3, v4  }
0x82: {  	v4 =	vperm.xlane v3, v0;
	_ =	sdelay $0x1  }
0x83: {  	v4 =	vadd.s32 v1, v4;
	_ =	sdelay $0x4  }
0x84: {  	[tilespmem:s22], [sflag:$0x1] =	stream.indirect_vreg.gather [hbm4b:s3+s15], $0x80, v4, vm0, $0xb8;
	[tilespmem:$0x8100] =	vst v63  }
0x85: {  	s19 =	simm.s32 $0x900;
	v3 =	vperm.xlane v3, v2  }
0x86: {  	[tilespmem:s19], [sflag:$0x1] =	stream.indirect_vreg.gather [hbm4b:s6+s15], $0x80, v4, vm0, $0xb8;
	[tilespmem:$0x8100] =	vst v63  }
0x87: {  	s21 =	simm.s32 $0x1100;
	v3 =	vadd.s32 v1, v3  }
0x88: {  	[tilespmem:s21], [sflag:$0x1] =	stream.indirect_vreg.gather [hbm4b:s7+s15], $0x80, v4, vm0, $0xb8;
	[tilespmem:$0x8100] =	vst v63  }
0x89: {  	_ = 	snop  }
0x8a: {  	[tilespmem:s25], [sflag:$0x1] =	stream.indirect_vreg.gather [hbm4b:s8+s15], $0x80, v4, vm0, $0xb8;
	[tilespmem:$0x8100] =	vst v63  }
0x8b: {  	_ = 	snop  }
0x8c: {  	[tilespmem:s26], [sflag:$0x1] =	stream.indirect_vreg.gather [hbm4b:s3+s15], $0x80, v3, vm0, $0xb8;
	[tilespmem:$0x8100] =	vst v63  }
0x8d: {  	_ = 	snop  }
0x8e: {  	[tilespmem:s28], [sflag:$0x1] =	stream.indirect_vreg.gather [hbm4b:s6+s15], $0x80, v3, vm0, $0xb8;
	[tilespmem:$0x8100] =	vst v63  }
0x8f: {  	_ = 	snop  }
0x90: {  	[tilespmem:s29], [sflag:$0x1] =	stream.indirect_vreg.gather [hbm4b:s7+s15], $0x80, v3, vm0, $0xb8;
	[tilespmem:$0x8100] =	vst v63  }
0x91: {  	_ = 	snop  }
0x92: {  	[tilespmem:s30], [sflag:$0x1] =	stream.indirect_vreg.gather [hbm4b:s8+s15], $0x80, v3, vm0, $0xb8;
	[tilespmem:$0x8100] =	vst v63  }
0x93: {  	v3 =	vld [tilespmem:$0x80];
	_ =	sdelay $0x4  }
0x94: {  	v4 =	vshll.u32 v3, $0x3  }
0x95: {  	v3 =	vand.u32 $0x7, v3;
	v4 =	vand.u32 $0xFFFFFFC0, v4  }
0x96: {  	v3 =	vor.u32 v3, v4  }
0x97: {  	v4 =	vperm.xlane v3, v0;
	_ =	sdelay $0x1  }
0x98: {  	v4 =	vadd.s32 v1, v4;
	_ =	sdelay $0x4  }
0x99: {  	[tilespmem:s31], [sflag:$0x2] =	stream.indirect_vreg.gather [hbm4b:s3+s15], $0x80, v4, vm0, $0xb8;
	[tilespmem:$0x8100] =	vst v63  }
0x9a: {  	v3 =	vperm.xlane v3, v2  }
0x9b: {  	[tilespmem:s0], [sflag:$0x2] =	stream.indirect_vreg.gather [hbm4b:s6+s15], $0x80, v4, vm0, $0xb8;
	[tilespmem:$0x8100] =	vst v63  }
0x9c: {  	v3 =	vadd.s32 v1, v3  }
0x9d: {  	[tilespmem:s1], [sflag:$0x2] =	stream.indirect_vreg.gather [hbm4b:s7+s15], $0x80, v4, vm0, $0xb8;
	[tilespmem:$0x8100] =	vst v63  }
0x9e: {  	_ = 	snop  }
0x9f: {  	[tilespmem:s4], [sflag:$0x2] =	stream.indirect_vreg.gather [hbm4b:s8+s15], $0x80, v4, vm0, $0xb8;
	[tilespmem:$0x8100] =	vst v63  }
0xa0: {  	_ = 	snop  }
0xa1: {  	[tilespmem:s5], [sflag:$0x2] =	stream.indirect_vreg.gather [hbm4b:s3+s15], $0x80, v3, vm0, $0xb8;
	[tilespmem:$0x8100] =	vst v63  }
0xa2: {  	_ = 	snop  }
0xa3: {  	[tilespmem:s9], [sflag:$0x2] =	stream.indirect_vreg.gather [hbm4b:s6+s15], $0x80, v3, vm0, $0xb8;
	[tilespmem:$0x8100] =	vst v63  }
0xa4: {  	_ = 	snop  }
0xa5: {  	[tilespmem:s10], [sflag:$0x2] =	stream.indirect_vreg.gather [hbm4b:s7+s15], $0x80, v3, vm0, $0xb8;
	[tilespmem:$0x8100] =	vst v63  }
0xa6: {  	_ = 	snop  }
0xa7: {  	[tilespmem:s11], [sflag:$0x2] =	stream.indirect_vreg.gather [hbm4b:s8+s15], $0x80, v3, vm0, $0xb8;
	[tilespmem:$0x8100] =	vst v63  }
0xa8: {  	s23 =	simm.s32 $0x0;
	_ =	swait.ge [sflag:s12], $0x4000  }
0xa9: {  	s16 =	sand.u32 $0x2000, s23;
	[sflag:s12] =	ssyncset.done $0x0  }
0xaa: {  	s24 =	sand.u32 $0x1C00, s15;
	s18 =	simm.s32 $0x0;
	[sflag:s12] =	ssyncadd.s32 $0xFFFFC000  }
0xab: {  	s16 =	sor.u32 s24, s16;
	s19 =	sand.u32 $0x380, s18;
	_ =	swait.ge [sflag:s13], $0x4000  }
0xac: {  	s16 =	sor.u32 s19, s16;
	s15 =	sand.u32 $0x40, s15;
	[sflag:s13] =	ssyncset.done $0x0  }
0xad: {  	s15 =	sor.u32 s15, s16;
	[sflag:s13] =	ssyncadd.s32 $0xFFFFC000  }
0xae: {  	v11 =	vld [tilespmem:s15+$0x4100]  }
0xaf: {  	v7 =	vld [tilespmem:s15+$0x4110]  }
0xb0: {  	v6 =	vld [tilespmem:s15+$0x4120]  }
0xb1: {  	s17 =	simm.s32 $0x200;
	s21 =	simm.s32 $0x40;
	v4 =	vld [tilespmem:s15+$0x4130]  }
0xb2: {  	s23 =	sand.u32 $0x1C00, s17;
	s19 =	simm.s32 $0x8;
	s16 =	sand.u32 $0x2000, s21;
	v63 =	vld [tilespmem:s15+$0x100]  }
0xb3: {  	s18 =	simm.s32 $0x40;
	s19 =	sand.u32 $0x380, s19;
	s16 =	sor.u32 s23, s16;
	v9 =	vld [tilespmem:s15+$0x110]  }
0xb4: {  	s24 =	sand.u32 $0x40, s18;
	s16 =	sor.u32 s19, s16;
	v10 =	vld [tilespmem:s15+$0x120]  }
0xb5: {  	s16 =	sor.u32 s24, s16;
	v8 =	vld [tilespmem:s15+$0x130]  }
0xb6: {  	v3 =	vld [tilespmem:s16+$0x4100]  }
0xb7: {  	s19 =	simm.s32 $0x4;
	v5 =	vld [tilespmem:s16+$0x4110];
	v11 =	vadd.f32 v11, v63  }
.LBB2_4:
0xb8: {  	s19 =	sadd.s32 $0x4, s19;
	v12 =	vld [tilespmem:s16+$0x4120];
	v7 =	vadd.f32 v7, v9;
	s17 =	sadd.s32 $0x200, s17  }
0xb9: {  	s18 =	sadd.s32 $0x40, s18;
	s21 =	sshll.u32 s19, $0x4;
	p0 =	slt.u32 s19, $0x3FC;
	v13 =	vld [tilespmem:s16+$0x4130];
	[tilespmem:s15+$0x100] =	vst v11;
	v6 =	vadd.f32 v6, v10  }
0xba: {  	s23 =	sand.u32 $0x1C00, s17;
	s24 =	sshll.u32 s19, $0x1;
	s21 =	sand.u32 $0x2000, s21;
	v11 =	vld [tilespmem:s16+$0x100];
	[tilespmem:s15+$0x110] =	vst v7;
	v4 =	vadd.f32 v4, v8  }
.Ltmp1:
0xbb: {  	s21 =	sor.u32 s23, s21;
	s23 =	sand.u32 $0x380, s24;
	v9 =	vld [tilespmem:s16+$0x110];
	[tilespmem:s15+$0x120] =	vst v6;
	(pc) =	sbr.rel @p0 .LBB2_4-.Ltmp1, $4  }
0xbc: {  	s24 =	sand.u32 $0x40, s18;
	v14 =	vmov v3;
	s21 =	sor.u32 s23, s21;
	v10 =	vld [tilespmem:s16+$0x120];
	[tilespmem:s15+$0x130] =	vst v4;
	v7 =	vmov v5;
	s15 =	smov.u32 s16  }
0xbd: {  	s16 =	sor.u32 s24, s21;
	v8 =	vld [tilespmem:s15+$0x130];
	v6 =	vmov v12  }
0xbe: {  	v3 =	vld [tilespmem:s16+$0x4100];
	v4 =	vmov v13  }
0xbf: {  	v5 =	vld [tilespmem:s16+$0x4110];
	v11 =	vadd.f32 v14, v11  }
0xc0: {  	v12 =	vld [tilespmem:s16+$0x4120];
	v7 =	vadd.f32 v7, v9  }
0xc1: {  	v13 =	vld [tilespmem:s16+$0x4130];
	[tilespmem:s15+$0x100] =	vst v11;
	v6 =	vadd.f32 v6, v10  }
0xc2: {  	v9 =	vld [tilespmem:s16+$0x100];
	[tilespmem:s15+$0x110] =	vst v7;
	v4 =	vadd.f32 v4, v8  }
0xc3: {  	v7 =	vld [tilespmem:s16+$0x110];
	[tilespmem:s15+$0x120] =	vst v6  }
0xc4: {  	v6 =	vld [tilespmem:s16+$0x120];
	[tilespmem:s15+$0x130] =	vst v4  }
0xc5: {  	v4 =	vld [tilespmem:s16+$0x130];
	_ =	sdelay $0x1  }
0xc6: {  	v3 =	vadd.f32 v3, v9  }
0xc7: {  	v5 =	vadd.f32 v5, v7  }
0xc8: {  	[tilespmem:s16+$0x100] =	vst v3;
	v3 =	vadd.f32 v12, v6  }
0xc9: {  	[tilespmem:s16+$0x110] =	vst v5;
	v4 =	vadd.f32 v13, v4  }
0xca: {  	[tilespmem:s16+$0x120] =	vst v3  }
0xcb: {  	s24 =	rddreg [dreg:$0x8];
	s15 =	simm.s32 $0x0;
	[tilespmem:s16+$0x130] =	vst v4  }
0xcc: {  	[hbm4b:s24+s15] =	stream.linear.scatter [tilespmem:s22], [sflag:$0x3], $0x4000, $0x38;
	[tilespmem:$0x8100] =	vst v63  }
0xcd: {  	_ =	swait.ge [sflag:s20], $0x4000  }
0xce: {  	[sflag:s20] =	ssyncset.done $0x0  }
0xcf: {  	s17 =	rddreg [dreg:$0x9];
	[sflag:s20] =	ssyncadd.s32 $0xFFFFC000  }
0xd0: {  	[tilespmem:s15], [sflag:$0x3] =	stream.linear.gather [hbm4b:s17+s15], $0x10, $0x38;
	[tilespmem:$0x8100] =	vst v63  }
0xd1: {  	_ =	swait.ge [sflag:s20], $0x10  }
0xd2: {  	[sflag:s20] =	ssyncset.done $0x0  }
0xd3: {  	s17 =	simm.s32 $0x80;
	s18 =	rddreg [dreg:$0xa];
	[sflag:s20] =	ssyncadd.s32 $0xFFFFFFF0  }
0xd4: {  	[tilespmem:s17], [sflag:$0x3] =	stream.linear.gather [hbm4b:s18+s15], $0x10, $0x38;
	[tilespmem:$0x8100] =	vst v63  }
0xd5: {  	_ =	swait.ge [sflag:s20], $0x10  }
0xd6: {  	[sflag:s20] =	ssyncset.done $0x0  }
0xd7: {  	[sflag:s20] =	ssyncadd.s32 $0xFFFFFFF0  }
0xd8: {  	v3 =	vld [tilespmem:$0x0];
	_ =	sdelay $0x4  }
0xd9: {  	v4 =	vshll.u32 v3, $0x3  }
0xda: {  	v3 =	vand.u32 $0x7, v3;
	v4 =	vand.u32 $0xFFFFFFC0, v4  }
0xdb: {  	v3 =	vor.u32 v3, v4  }
0xdc: {  	v4 =	vperm.xlane v3, v0;
	_ =	sdelay $0x1  }
0xdd: {  	v4 =	vadd.s32 v1, v4;
	_ =	sdelay $0x4  }
0xde: {  	[tilespmem:s22], [sflag:$0x1] =	stream.indirect_vreg.gather [hbm4b:s3+s15], $0x80, v4, vm0, $0xb8;
	[tilespmem:$0x8100] =	vst v63  }
0xdf: {  	s19 =	simm.s32 $0x900;
	v3 =	vperm.xlane v3, v2  }
0xe0: {  	[tilespmem:s19], [sflag:$0x1] =	stream.indirect_vreg.gather [hbm4b:s6+s15], $0x80, v4, vm0, $0xb8;
	[tilespmem:$0x8100] =	vst v63  }
0xe1: {  	s21 =	simm.s32 $0x1100;
	v3 =	vadd.s32 v1, v3  }
0xe2: {  	[tilespmem:s21], [sflag:$0x1] =	stream.indirect_vreg.gather [hbm4b:s7+s15], $0x80, v4, vm0, $0xb8;
	[tilespmem:$0x8100] =	vst v63  }
0xe3: {  	_ = 	snop  }
0xe4: {  	[tilespmem:s25], [sflag:$0x1] =	stream.indirect_vreg.gather [hbm4b:s8+s15], $0x80, v4, vm0, $0xb8;
	[tilespmem:$0x8100] =	vst v63  }
0xe5: {  	_ = 	snop  }
0xe6: {  	[tilespmem:s26], [sflag:$0x1] =	stream.indirect_vreg.gather [hbm4b:s3+s15], $0x80, v3, vm0, $0xb8;
	[tilespmem:$0x8100] =	vst v63  }
0xe7: {  	_ = 	snop  }
0xe8: {  	[tilespmem:s28], [sflag:$0x1] =	stream.indirect_vreg.gather [hbm4b:s6+s15], $0x80, v3, vm0, $0xb8;
	[tilespmem:$0x8100] =	vst v63  }
0xe9: {  	_ = 	snop  }
0xea: {  	[tilespmem:s29], [sflag:$0x1] =	stream.indirect_vreg.gather [hbm4b:s7+s15], $0x80, v3, vm0, $0xb8;
	[tilespmem:$0x8100] =	vst v63  }
0xeb: {  	_ = 	snop  }
0xec: {  	[tilespmem:s30], [sflag:$0x1] =	stream.indirect_vreg.gather [hbm4b:s8+s15], $0x80, v3, vm0, $0xb8;
	[tilespmem:$0x8100] =	vst v63  }
0xed: {  	v3 =	vld [tilespmem:$0x80];
	_ =	sdelay $0x4  }
0xee: {  	v4 =	vshll.u32 v3, $0x3  }
0xef: {  	v3 =	vand.u32 $0x7, v3;
	v4 =	vand.u32 $0xFFFFFFC0, v4  }
0xf0: {  	v3 =	vor.u32 v3, v4  }
0xf1: {  	v4 =	vperm.xlane v3, v0;
	_ =	sdelay $0x1  }
0xf2: {  	v4 =	vadd.s32 v1, v4;
	_ =	sdelay $0x4  }
0xf3: {  	[tilespmem:s31], [sflag:$0x2] =	stream.indirect_vreg.gather [hbm4b:s3+s15], $0x80, v4, vm0, $0xb8;
	[tilespmem:$0x8100] =	vst v63  }
0xf4: {  	v3 =	vperm.xlane v3, v2  }
0xf5: {  	[tilespmem:s0], [sflag:$0x2] =	stream.indirect_vreg.gather [hbm4b:s6+s15], $0x80, v4, vm0, $0xb8;
	[tilespmem:$0x8100] =	vst v63  }
0xf6: {  	v3 =	vadd.s32 v1, v3  }
0xf7: {  	[tilespmem:s1], [sflag:$0x2] =	stream.indirect_vreg.gather [hbm4b:s7+s15], $0x80, v4, vm0, $0xb8;
	[tilespmem:$0x8100] =	vst v63  }
0xf8: {  	_ = 	snop  }
0xf9: {  	[tilespmem:s4], [sflag:$0x2] =	stream.indirect_vreg.gather [hbm4b:s8+s15], $0x80, v4, vm0, $0xb8;
	[tilespmem:$0x8100] =	vst v63  }
0xfa: {  	_ = 	snop  }
0xfb: {  	[tilespmem:s5], [sflag:$0x2] =	stream.indirect_vreg.gather [hbm4b:s3+s15], $0x80, v3, vm0, $0xb8;
	[tilespmem:$0x8100] =	vst v63  }
0xfc: {  	_ = 	snop  }
0xfd: {  	[tilespmem:s9], [sflag:$0x2] =	stream.indirect_vreg.gather [hbm4b:s6+s15], $0x80, v3, vm0, $0xb8;
	[tilespmem:$0x8100] =	vst v63  }
0xfe: {  	_ = 	snop  }
0xff: {  	[tilespmem:s10], [sflag:$0x2] =	stream.indirect_vreg.gather [hbm4b:s7+s15], $0x80, v3, vm0, $0xb8;
	[tilespmem:$0x8100] =	vst v63  }
0x100: {  	_ = 	snop  }
0x101: {  	[tilespmem:s11], [sflag:$0x2] =	stream.indirect_vreg.gather [hbm4b:s8+s15], $0x80, v3, vm0, $0xb8;
	[tilespmem:$0x8100] =	vst v63  }
0x102: {  	s23 =	simm.s32 $0x0;
	_ =	swait.ge [sflag:s12], $0x4000  }
0x103: {  	s16 =	sand.u32 $0x2000, s23;
	[sflag:s12] =	ssyncset.done $0x0  }
0x104: {  	s24 =	sand.u32 $0x1C00, s15;
	s18 =	simm.s32 $0x0;
	[sflag:s12] =	ssyncadd.s32 $0xFFFFC000  }
0x105: {  	s16 =	sor.u32 s24, s16;
	s19 =	sand.u32 $0x380, s18;
	_ =	swait.ge [sflag:s13], $0x4000  }
0x106: {  	s16 =	sor.u32 s19, s16;
	s15 =	sand.u32 $0x40, s15;
	[sflag:s13] =	ssyncset.done $0x0  }
0x107: {  	s15 =	sor.u32 s15, s16;
	[sflag:s13] =	ssyncadd.s32 $0xFFFFC000  }
0x108: {  	v11 =	vld [tilespmem:s15+$0x4100]  }
0x109: {  	v7 =	vld [tilespmem:s15+$0x4110]  }
0x10a: {  	v6 =	vld [tilespmem:s15+$0x4120]  }
0x10b: {  	s17 =	simm.s32 $0x200;
	s21 =	simm.s32 $0x40;
	v4 =	vld [tilespmem:s15+$0x4130]  }
0x10c: {  	s23 =	sand.u32 $0x1C00, s17;
	s19 =	simm.s32 $0x8;
	s16 =	sand.u32 $0x2000, s21;
	v63 =	vld [tilespmem:s15+$0x100]  }
0x10d: {  	s18 =	simm.s32 $0x40;
	s19 =	sand.u32 $0x380, s19;
	s16 =	sor.u32 s23, s16;
	v9 =	vld [tilespmem:s15+$0x110]  }
0x10e: {  	s24 =	sand.u32 $0x40, s18;
	s16 =	sor.u32 s19, s16;
	v10 =	vld [tilespmem:s15+$0x120]  }
0x10f: {  	s16 =	sor.u32 s24, s16;
	v8 =	vld [tilespmem:s15+$0x130]  }
0x110: {  	v3 =	vld [tilespmem:s16+$0x4100]  }
0x111: {  	s19 =	simm.s32 $0x4;
	v5 =	vld [tilespmem:s16+$0x4110];
	v11 =	vadd.f32 v11, v63  }
.LBB2_6:
0x112: {  	s19 =	sadd.s32 $0x4, s19;
	v12 =	vld [tilespmem:s16+$0x4120];
	v7 =	vadd.f32 v7, v9;
	s17 =	sadd.s32 $0x200, s17  }
0x113: {  	s18 =	sadd.s32 $0x40, s18;
	s21 =	sshll.u32 s19, $0x4;
	p0 =	slt.u32 s19, $0x3FC;
	v13 =	vld [tilespmem:s16+$0x4130];
	[tilespmem:s15+$0x100] =	vst v11;
	v6 =	vadd.f32 v6, v10  }
0x114: {  	s23 =	sand.u32 $0x1C00, s17;
	s24 =	sshll.u32 s19, $0x1;
	s21 =	sand.u32 $0x2000, s21;
	v11 =	vld [tilespmem:s16+$0x100];
	[tilespmem:s15+$0x110] =	vst v7;
	v4 =	vadd.f32 v4, v8  }
.Ltmp2:
0x115: {  	s21 =	sor.u32 s23, s21;
	s23 =	sand.u32 $0x380, s24;
	v9 =	vld [tilespmem:s16+$0x110];
	[tilespmem:s15+$0x120] =	vst v6;
	(pc) =	sbr.rel @p0 .LBB2_6-.Ltmp2, $4  }
0x116: {  	s24 =	sand.u32 $0x40, s18;
	v14 =	vmov v3;
	s21 =	sor.u32 s23, s21;
	v10 =	vld [tilespmem:s16+$0x120];
	[tilespmem:s15+$0x130] =	vst v4;
	v7 =	vmov v5;
	s15 =	smov.u32 s16  }
0x117: {  	s16 =	sor.u32 s24, s21;
	v8 =	vld [tilespmem:s15+$0x130];
	v6 =	vmov v12  }
0x118: {  	v3 =	vld [tilespmem:s16+$0x4100];
	v4 =	vmov v13  }
0x119: {  	v5 =	vld [tilespmem:s16+$0x4110];
	v11 =	vadd.f32 v14, v11  }
0x11a: {  	v12 =	vld [tilespmem:s16+$0x4120];
	v7 =	vadd.f32 v7, v9  }
0x11b: {  	v13 =	vld [tilespmem:s16+$0x4130];
	[tilespmem:s15+$0x100] =	vst v11;
	v6 =	vadd.f32 v6, v10  }
0x11c: {  	v9 =	vld [tilespmem:s16+$0x100];
	[tilespmem:s15+$0x110] =	vst v7;
	v4 =	vadd.f32 v4, v8  }
0x11d: {  	v7 =	vld [tilespmem:s16+$0x110];
	[tilespmem:s15+$0x120] =	vst v6  }
0x11e: {  	v6 =	vld [tilespmem:s16+$0x120];
	[tilespmem:s15+$0x130] =	vst v4  }
0x11f: {  	v4 =	vld [tilespmem:s16+$0x130];
	_ =	sdelay $0x1  }
0x120: {  	v3 =	vadd.f32 v3, v9  }
0x121: {  	v5 =	vadd.f32 v5, v7  }
0x122: {  	[tilespmem:s16+$0x100] =	vst v3;
	v3 =	vadd.f32 v12, v6  }
0x123: {  	[tilespmem:s16+$0x110] =	vst v5;
	v4 =	vadd.f32 v13, v4  }
0x124: {  	[tilespmem:s16+$0x120] =	vst v3  }
0x125: {  	s24 =	rddreg [dreg:$0xb];
	s15 =	simm.s32 $0x0;
	[tilespmem:s16+$0x130] =	vst v4  }
0x126: {  	[hbm4b:s24+s15] =	stream.linear.scatter [tilespmem:s22], [sflag:$0x3], $0x4000, $0x38;
	[tilespmem:$0x8100] =	vst v63  }
0x127: {  	_ =	swait.ge [sflag:s20], $0x4000  }
0x128: {  	[sflag:s20] =	ssyncset.done $0x0  }
0x129: {  	s17 =	rddreg [dreg:$0xc];
	[sflag:s20] =	ssyncadd.s32 $0xFFFFC000  }
0x12a: {  	[tilespmem:s15], [sflag:$0x3] =	stream.linear.gather [hbm4b:s17+s15], $0x10, $0x38;
	[tilespmem:$0x8100] =	vst v63  }
0x12b: {  	_ =	swait.ge [sflag:s20], $0x10  }
0x12c: {  	[sflag:s20] =	ssyncset.done $0x0  }
0x12d: {  	s17 =	simm.s32 $0x80;
	s18 =	rddreg [dreg:$0xd];
	[sflag:s20] =	ssyncadd.s32 $0xFFFFFFF0  }
0x12e: {  	[tilespmem:s17], [sflag:$0x3] =	stream.linear.gather [hbm4b:s18+s15], $0x10, $0x38;
	[tilespmem:$0x8100] =	vst v63  }
0x12f: {  	_ =	swait.ge [sflag:s20], $0x10  }
0x130: {  	[sflag:s20] =	ssyncset.done $0x0  }
0x131: {  	[sflag:s20] =	ssyncadd.s32 $0xFFFFFFF0  }
0x132: {  	v3 =	vld [tilespmem:$0x0];
	_ =	sdelay $0x4  }
0x133: {  	v4 =	vshll.u32 v3, $0x3  }
0x134: {  	v3 =	vand.u32 $0x7, v3;
	v4 =	vand.u32 $0xFFFFFFC0, v4  }
0x135: {  	v3 =	vor.u32 v3, v4  }
0x136: {  	v4 =	vperm.xlane v3, v0;
	_ =	sdelay $0x1  }
0x137: {  	v4 =	vadd.s32 v1, v4;
	_ =	sdelay $0x4  }
0x138: {  	[tilespmem:s22], [sflag:$0x1] =	stream.indirect_vreg.gather [hbm4b:s3+s15], $0x80, v4, vm0, $0xb8;
	[tilespmem:$0x8100] =	vst v63  }
0x139: {  	s19 =	simm.s32 $0x900;
	v3 =	vperm.xlane v3, v2  }
0x13a: {  	[tilespmem:s19], [sflag:$0x1] =	stream.indirect_vreg.gather [hbm4b:s6+s15], $0x80, v4, vm0, $0xb8;
	[tilespmem:$0x8100] =	vst v63  }
0x13b: {  	s21 =	simm.s32 $0x1100;
	v3 =	vadd.s32 v1, v3  }
0x13c: {  	[tilespmem:s21], [sflag:$0x1] =	stream.indirect_vreg.gather [hbm4b:s7+s15], $0x80, v4, vm0, $0xb8;
	[tilespmem:$0x8100] =	vst v63  }
0x13d: {  	_ = 	snop  }
0x13e: {  	[tilespmem:s25], [sflag:$0x1] =	stream.indirect_vreg.gather [hbm4b:s8+s15], $0x80, v4, vm0, $0xb8;
	[tilespmem:$0x8100] =	vst v63  }
0x13f: {  	_ = 	snop  }
0x140: {  	[tilespmem:s26], [sflag:$0x1] =	stream.indirect_vreg.gather [hbm4b:s3+s15], $0x80, v3, vm0, $0xb8;
	[tilespmem:$0x8100] =	vst v63  }
0x141: {  	_ = 	snop  }
0x142: {  	[tilespmem:s28], [sflag:$0x1] =	stream.indirect_vreg.gather [hbm4b:s6+s15], $0x80, v3, vm0, $0xb8;
	[tilespmem:$0x8100] =	vst v63  }
0x143: {  	_ = 	snop  }
0x144: {  	[tilespmem:s29], [sflag:$0x1] =	stream.indirect_vreg.gather [hbm4b:s7+s15], $0x80, v3, vm0, $0xb8;
	[tilespmem:$0x8100] =	vst v63  }
0x145: {  	_ = 	snop  }
0x146: {  	[tilespmem:s30], [sflag:$0x1] =	stream.indirect_vreg.gather [hbm4b:s8+s15], $0x80, v3, vm0, $0xb8;
	[tilespmem:$0x8100] =	vst v63  }
0x147: {  	v3 =	vld [tilespmem:$0x80];
	_ =	sdelay $0x4  }
0x148: {  	v4 =	vshll.u32 v3, $0x3  }
0x149: {  	v3 =	vand.u32 $0x7, v3;
	v4 =	vand.u32 $0xFFFFFFC0, v4  }
0x14a: {  	v3 =	vor.u32 v3, v4  }
0x14b: {  	v4 =	vperm.xlane v3, v0;
	_ =	sdelay $0x1  }
0x14c: {  	v4 =	vadd.s32 v1, v4;
	_ =	sdelay $0x4  }
0x14d: {  	[tilespmem:s31], [sflag:$0x2] =	stream.indirect_vreg.gather [hbm4b:s3+s15], $0x80, v4, vm0, $0xb8;
	[tilespmem:$0x8100] =	vst v63  }
0x14e: {  	v3 =	vperm.xlane v3, v2  }
0x14f: {  	[tilespmem:s0], [sflag:$0x2] =	stream.indirect_vreg.gather [hbm4b:s6+s15], $0x80, v4, vm0, $0xb8;
	[tilespmem:$0x8100] =	vst v63  }
0x150: {  	v3 =	vadd.s32 v1, v3  }
0x151: {  	[tilespmem:s1], [sflag:$0x2] =	stream.indirect_vreg.gather [hbm4b:s7+s15], $0x80, v4, vm0, $0xb8;
	[tilespmem:$0x8100] =	vst v63  }
0x152: {  	_ = 	snop  }
0x153: {  	[tilespmem:s4], [sflag:$0x2] =	stream.indirect_vreg.gather [hbm4b:s8+s15], $0x80, v4, vm0, $0xb8;
	[tilespmem:$0x8100] =	vst v63  }
0x154: {  	_ = 	snop  }
0x155: {  	[tilespmem:s5], [sflag:$0x2] =	stream.indirect_vreg.gather [hbm4b:s3+s15], $0x80, v3, vm0, $0xb8;
	[tilespmem:$0x8100] =	vst v63  }
0x156: {  	_ = 	snop  }
0x157: {  	[tilespmem:s9], [sflag:$0x2] =	stream.indirect_vreg.gather [hbm4b:s6+s15], $0x80, v3, vm0, $0xb8;
	[tilespmem:$0x8100] =	vst v63  }
0x158: {  	_ = 	snop  }
0x159: {  	[tilespmem:s10], [sflag:$0x2] =	stream.indirect_vreg.gather [hbm4b:s7+s15], $0x80, v3, vm0, $0xb8;
	[tilespmem:$0x8100] =	vst v63  }
0x15a: {  	_ = 	snop  }
0x15b: {  	[tilespmem:s11], [sflag:$0x2] =	stream.indirect_vreg.gather [hbm4b:s8+s15], $0x80, v3, vm0, $0xb8;
	[tilespmem:$0x8100] =	vst v63  }
0x15c: {  	s23 =	simm.s32 $0x0;
	_ =	swait.ge [sflag:s12], $0x4000  }
0x15d: {  	s16 =	sand.u32 $0x2000, s23;
	[sflag:s12] =	ssyncset.done $0x0  }
0x15e: {  	s24 =	sand.u32 $0x1C00, s15;
	s18 =	simm.s32 $0x0;
	[sflag:s12] =	ssyncadd.s32 $0xFFFFC000  }
0x15f: {  	s16 =	sor.u32 s24, s16;
	s19 =	sand.u32 $0x380, s18;
	_ =	swait.ge [sflag:s13], $0x4000  }
0x160: {  	s16 =	sor.u32 s19, s16;
	s15 =	sand.u32 $0x40, s15;
	[sflag:s13] =	ssyncset.done $0x0  }
0x161: {  	s15 =	sor.u32 s15, s16;
	[sflag:s13] =	ssyncadd.s32 $0xFFFFC000  }
0x162: {  	v11 =	vld [tilespmem:s15+$0x4100]  }
0x163: {  	v7 =	vld [tilespmem:s15+$0x4110]  }
0x164: {  	v6 =	vld [tilespmem:s15+$0x4120]  }
0x165: {  	s17 =	simm.s32 $0x200;
	s21 =	simm.s32 $0x40;
	v4 =	vld [tilespmem:s15+$0x4130]  }
0x166: {  	s23 =	sand.u32 $0x1C00, s17;
	s19 =	simm.s32 $0x8;
	s16 =	sand.u32 $0x2000, s21;
	v63 =	vld [tilespmem:s15+$0x100]  }
0x167: {  	s18 =	simm.s32 $0x40;
	s19 =	sand.u32 $0x380, s19;
	s16 =	sor.u32 s23, s16;
	v9 =	vld [tilespmem:s15+$0x110]  }
0x168: {  	s24 =	sand.u32 $0x40, s18;
	s16 =	sor.u32 s19, s16;
	v10 =	vld [tilespmem:s15+$0x120]  }
0x169: {  	s16 =	sor.u32 s24, s16;
	v8 =	vld [tilespmem:s15+$0x130]  }
0x16a: {  	v3 =	vld [tilespmem:s16+$0x4100]  }
0x16b: {  	s19 =	simm.s32 $0x4;
	v5 =	vld [tilespmem:s16+$0x4110];
	v11 =	vadd.f32 v11, v63  }
.LBB2_8:
0x16c: {  	s19 =	sadd.s32 $0x4, s19;
	v12 =	vld [tilespmem:s16+$0x4120];
	v7 =	vadd.f32 v7, v9;
	s17 =	sadd.s32 $0x200, s17  }
0x16d: {  	s18 =	sadd.s32 $0x40, s18;
	s21 =	sshll.u32 s19, $0x4;
	p0 =	slt.u32 s19, $0x3FC;
	v13 =	vld [tilespmem:s16+$0x4130];
	[tilespmem:s15+$0x100] =	vst v11;
	v6 =	vadd.f32 v6, v10  }
0x16e: {  	s23 =	sand.u32 $0x1C00, s17;
	s24 =	sshll.u32 s19, $0x1;
	s21 =	sand.u32 $0x2000, s21;
	v11 =	vld [tilespmem:s16+$0x100];
	[tilespmem:s15+$0x110] =	vst v7;
	v4 =	vadd.f32 v4, v8  }
.Ltmp3:
0x16f: {  	s21 =	sor.u32 s23, s21;
	s23 =	sand.u32 $0x380, s24;
	v9 =	vld [tilespmem:s16+$0x110];
	[tilespmem:s15+$0x120] =	vst v6;
	(pc) =	sbr.rel @p0 .LBB2_8-.Ltmp3, $4  }
0x170: {  	s24 =	sand.u32 $0x40, s18;
	v14 =	vmov v3;
	s21 =	sor.u32 s23, s21;
	v10 =	vld [tilespmem:s16+$0x120];
	[tilespmem:s15+$0x130] =	vst v4;
	v7 =	vmov v5;
	s15 =	smov.u32 s16  }
0x171: {  	s16 =	sor.u32 s24, s21;
	v8 =	vld [tilespmem:s15+$0x130];
	v6 =	vmov v12  }
0x172: {  	v3 =	vld [tilespmem:s16+$0x4100];
	v4 =	vmov v13  }
0x173: {  	v5 =	vld [tilespmem:s16+$0x4110];
	v11 =	vadd.f32 v14, v11  }
0x174: {  	v12 =	vld [tilespmem:s16+$0x4120];
	v7 =	vadd.f32 v7, v9  }
0x175: {  	v13 =	vld [tilespmem:s16+$0x4130];
	[tilespmem:s15+$0x100] =	vst v11;
	v6 =	vadd.f32 v6, v10  }
0x176: {  	v63 =	vld [tilespmem:s16+$0x100];
	[tilespmem:s15+$0x110] =	vst v7;
	v4 =	vadd.f32 v4, v8  }
0x177: {  	v7 =	vld [tilespmem:s16+$0x110];
	[tilespmem:s15+$0x120] =	vst v6  }
0x178: {  	v6 =	vld [tilespmem:s16+$0x120];
	[tilespmem:s15+$0x130] =	vst v4  }
0x179: {  	v4 =	vld [tilespmem:s16+$0x130];
	_ =	sdelay $0x1  }
0x17a: {  	v3 =	vadd.f32 v3, v63  }
0x17b: {  	v5 =	vadd.f32 v5, v7  }
0x17c: {  	[tilespmem:s16+$0x100] =	vst v3;
	v3 =	vadd.f32 v12, v6  }
0x17d: {  	[tilespmem:s16+$0x110] =	vst v5;
	v4 =	vadd.f32 v13, v4  }
0x17e: {  	[tilespmem:s16+$0x120] =	vst v3  }
0x17f: {  	s23 =	rddreg [dreg:$0xe];
	[tilespmem:s16+$0x130] =	vst v4  }
0x180: {  	[hbm4b:s23+s2] =	stream.linear.scatter [tilespmem:s22], [sflag:$0x3], $0x4000, $0x38;
	[tilespmem:$0x8100] =	vst v63  }
0x181: {  	_ =	swait.ge [sflag:s20], $0x4000  }
0x182: {  	s14 =	sadd.s32 $0x1, s14;
	s24 =	rddreg [dreg:$0xf]  }
0x183: {  	p0 =	sne.s32 s14, s24  }
.Ltmp4:
0x184: {  	_ = 	snop;
	(pc) =	sbr.rel @p0 .LBB2_1-.Ltmp4, $3  }
0x185: {  	_ =	sdelay $0x1  }
0x186: {  	[sflag:s20] =	ssyncset.done $0x0  }
0x187: {  	[sflag:s20] =	ssyncadd.s32 $0xFFFFC000  }
0x188: {  	_ =	sfence.sel $0x180000  }
0x189: {  	[bflag:$0x0] =	sbarrier.arrive $0xFFFF  }
0x18a: {  	_ =	strace $0x9000004A  }
0x18b: {  	s0 =	stileid.u32;
	[bflag:$0x2] =	sbarrier.arrive $0xFFFF  }
0x18c: {  	p0 =	sne.s32 s0, $0x0;
	s0 =	rddreg [dreg:$0x2]  }
0x18d: {  	s0 =	sadd.s32 @!p0 $0x100000, s0  }
0x18e: {  	[sflag:s0] =	ssyncadd.tile.s32 @!p0 $0x1;
	_ =	shalt  }
.Lfunc_end2:
_tile_overlayer_lowered:
.L_overlay_start_2:
0x18f: {  	(tag) =	ssettag $0x2  }
0x190: {  	s0 =	rddreg [dreg:$0x0];
	s2 =	stileid.u32  }
0x191: {  	s1 =	rddreg [dreg:$0x1];
	p0 =	sne.s32 s2, $0x0  }
0x192: {  	s3 =	rddreg [dreg:$0x2];
	[bflag:$0x3] =	sbarrier.arrive $0xFFFF;
	s2 =	simm.s32 @!p0 $0x1C03  }
0x193: {  	[timem:s3], [sflag:s2] =	dma.local @!p0 [hbm:s0], s1  }
0x194: {  	s0 =	simm.s32 @!p0 $0x3  }
0x195: {  	_ =	swait.ge @!p0 [sflag:s0], s1  }
0x196: {  	s1 =	ssub.s32 @!p0 $0x0, s1;
	[sflag:s0] =	ssyncset.done @!p0 $0x0  }
0x197: {  	[sflag:s0] =	ssyncadd.s32 @!p0 s1  }
0x198: {  	[bflag:$0x3] =	sbarrier.arrive $0xFFFF  }
0x199: {  	_ =	shalt  }

</sc_bundles>
